<compile_context>
chip_gen: v7x
topology: tpu7x:2x2x1
jax: 0.10.2.dev20260603
libtpu: 0.0.44.dev20260713+nightly
codegen_flags: <defaults>
</compile_context>

<pallas_src>
import functools

import jax
import jax.numpy as jnp
import numpy as np
from jax import lax
from jax.experimental import pallas as pl
from jax.experimental.pallas import tpu as pltpu
from jax.experimental.pallas import tpu_sc as plsc

N0, N1, N2 = 10000, 5000, 2000
E0, E1 = 320000, 160000
D = 128

NC, NS = 2, 16
NW = NC * NS
C = 128

N1_PAD = 5120
N2_PAD = 2048
def _round_chunks(e):
    n = (e + NW * C - 1) // (NW * C)
    return n + (-n) % 3

E0_PAD = _round_chunks(E0) * NW * C
E1_PAD = _round_chunks(E1) * NW * C


def _make_seg_sum(n_dst_pad, n_chunks):
    assert n_chunks % 3 == 0
    rpt = n_dst_pad // NS

    mesh = plsc.VectorSubcoreMesh(core_axis_name="c", subcore_axis_name="s")

    @functools.partial(
        pl.kernel,
        out_type=(
            jax.ShapeDtypeStruct((NC * n_dst_pad, D), jnp.float32),
            jax.ShapeDtypeStruct((NW, n_dst_pad), jnp.float32),
        ),
        mesh=mesh,
        compiler_params=pltpu.CompilerParams(needs_layout_passes=False),
        scratch_types=[
            pltpu.VMEM((n_chunks, C), jnp.int32),
            pltpu.VMEM((n_chunks, C), jnp.int32),
            pltpu.VMEM((C, D), jnp.float32),
            pltpu.VMEM((C, D), jnp.float32),
            pltpu.VMEM((C, D), jnp.float32),
            pltpu.VMEM((n_dst_pad,), jnp.float32),
            pltpu.VMEM_SHARED((n_dst_pad, D), jnp.float32),
            pltpu.SemaphoreType.DMA,
            pltpu.SemaphoreType.DMA,
            pltpu.SemaphoreType.DMA,
            pltpu.SemaphoreType.DMA,
            pltpu.SemaphoreType.DMA,
            pltpu.SemaphoreType.DMA,
        ],
    )
    def seg(table, src, dst, zrows, zflat, sums_out, cnts_out,
            sidx, didx, rows0, rows1, rows2, cnt, acc,
            gs0, gs1, gs2, ss0, ss1, ss2):
        rows = (rows0, rows1, rows2)
        gs = (gs0, gs1, gs2)
        ss = (ss0, ss1, ss2)
        c = lax.axis_index("c")
        s = lax.axis_index("s")
        wid = s * NC + c
        r0 = s * rpt

        pltpu.sync_copy(src.at[wid], sidx)
        pltpu.sync_copy(dst.at[wid], didx)
        pltpu.sync_copy(zrows.at[pl.ds(r0, rpt)], acc.at[pl.ds(r0, rpt)])
        pltpu.sync_copy(zflat.at[pl.ds(0, n_dst_pad)], cnt)
        plsc.subcore_barrier()

        ones16 = jnp.ones((16,), jnp.float32)

        def issue_gather(k, b):
            pltpu.async_copy(table.at[sidx.at[k]], rows[b], gs[b])

        def wait_gather(b):
            pltpu.make_async_copy(table.at[pl.ds(0, C)], rows[b], gs[b]).wait()

        def wait_scatter(b):
            pltpu.make_async_copy(table.at[pl.ds(0, C)], rows[b], ss[b]).wait()

        issue_gather(0, 0)
        issue_gather(1, 1)

        def body(t, carry):
            for b in (0, 1, 2):
                k = t * 3 + b
                wait_gather(b)
                pltpu.async_copy(rows[b], acc.at[didx.at[k]], ss[b], add=True)
                bb = (b + 2) % 3
                if b == 0:
                    @pl.when(t > 0)
                    def _():
                        wait_scatter(bb)
                else:
                    wait_scatter(bb)
                kn = lax.rem(k + 2, n_chunks)
                issue_gather(kn, bb)
                for i in range(C // 16):
                    d = didx[k, pl.ds(i * 16, 16)]
                    plsc.addupdate_scatter(cnt, [d], ones16)
            return carry

        lax.fori_loop(0, n_chunks // 3, body, 0)
        wait_scatter(2)
        wait_gather(0)
        wait_gather(1)
        plsc.subcore_barrier()

        pltpu.sync_copy(acc.at[pl.ds(r0, rpt)],
                        sums_out.at[pl.ds(c * n_dst_pad + r0, rpt)])
        pltpu.sync_copy(cnt, cnts_out.at[wid])

    return seg


_seg0 = _make_seg_sum(N1_PAD, E0_PAD // (NW * C))
_seg1 = _make_seg_sum(N2_PAD, E1_PAD // (NW * C))


def _make_tc_layer(n_dst, n_dst_pad, final):

    def body(sums_ref, cnts_ref, xt_ref, wl_ref, bl_ref, wr_ref, g_ref, b_ref,
             out_ref):
        ssum = (sums_ref[pl.ds(0, n_dst), :]
                + sums_ref[pl.ds(n_dst_pad, n_dst), :])
        cnt = jnp.sum(cnts_ref[:, :n_dst], axis=0)
        mean = ssum / jnp.maximum(cnt, 1.0)[:, None]
        xt = xt_ref[pl.ds(0, n_dst), :]
        z = (jnp.dot(mean, wl_ref[...], preferred_element_type=jnp.float32)
             + bl_ref[...][None, :]
             + jnp.dot(xt, wr_ref[...], preferred_element_type=jnp.float32))
        h = jnp.maximum(z, 0.0)
        m = jnp.mean(h, axis=0)
        v = jnp.mean((h - m[None, :]) ** 2, axis=0)
        hn = (h - m[None, :]) / jnp.sqrt(v + 1e-5)[None, :] * g_ref[...][None, :] \
            + b_ref[...][None, :]
        if final:
            mx = jnp.max(hn, axis=1, keepdims=True)
            e = hn - mx
            lse = jnp.log(jnp.sum(jnp.exp(e), axis=1, keepdims=True))
            out_ref[...] = e - lse
        else:
            out_ref[...] = hn

    return pl.pallas_call(
        body,
        out_shape=jax.ShapeDtypeStruct((n_dst, D), jnp.float32),
    )


_tc0 = _make_tc_layer(N1, N1_PAD, final=False)
_tc1 = _make_tc_layer(N2, N2_PAD, final=True)


def _pad_edges(ei, e_pad, n_src, n_dst, n_dst_pad):
    npad = e_pad - ei.shape[1]
    n_dummy = n_dst_pad - n_dst
    pad_src = np.arange(npad, dtype=np.int32) % n_src
    pad_dst = n_dst + np.arange(npad, dtype=np.int32) % n_dummy
    n_chunks = e_pad // (NW * C)
    src = jnp.concatenate([ei[0], jnp.asarray(pad_src)]).reshape(NW, n_chunks, C)
    dst = jnp.concatenate([ei[1], jnp.asarray(pad_dst)]).reshape(NW, n_chunks, C)
    return src, dst


def kernel(x, edge_index0, edge_index1,
           Wl0p, bl0p, Wr0p, g0p, b0p, Wl1p, bl1p, Wr1p, g1p, b1p,
           Wl0e, bl0e, Wr0e, g0e, b0e, Wl1e, bl1e, Wr1e, g1e, b1e):
    src0, dst0 = _pad_edges(edge_index0, E0_PAD, N0, N1, N1_PAD)
    src1, dst1 = _pad_edges(edge_index1, E1_PAD, N1, N2, N2_PAD)
    z0r = jnp.zeros((N1_PAD, D), jnp.float32)
    z0f = jnp.zeros((N1_PAD,), jnp.float32)
    z1r = jnp.zeros((N2_PAD, D), jnp.float32)
    z1f = jnp.zeros((N2_PAD,), jnp.float32)

    sums0, cnts0 = _seg0(x, src0, dst0, z0r, z0f)
    h1 = _tc0(sums0, cnts0, x, Wl0e, bl0e, Wr0e, g0e, b0e)
    sums1, cnts1 = _seg1(h1, src1, dst1, z1r, z1f)
    return _tc1(sums1, cnts1, h1, Wl1e, bl1e, Wr1e, g1e, b1e)

# --- scband reference (transcript-rebuilt; emitter-appended) ---
"""Pipeline reference for scband-supervised-diff-pool-51788715655370 (READ-ONLY COPY).

The authoritative reference and input builder live on the scoring server;
editing this copy changes nothing except your own understanding.
"""

import jax, jax.numpy as jnp
import numpy as np

N0, N1, N2 = 10000, 5000, 2000
E0, E1 = 320000, 160000
D_IN, D_H, D_POOL = 128, 128, 20


def _sage(x, ei, n_dst, Wl, bl, Wr):
    # PyG SAGEConv on bipartite input ((x, x_target), edge_index) with mean aggregation:
    # out = lin_l(mean_{j->i} x_j) + lin_r(x_target_i)
    xt = x[:n_dst]
    msg = x[ei[0]]
    ssum = jax.ops.segment_sum(msg, ei[1], num_segments=n_dst)
    cnt = jax.ops.segment_sum(jnp.ones((ei.shape[1],), x.dtype), ei[1], num_segments=n_dst)
    mean = ssum / jnp.maximum(cnt, 1.0)[:, None]
    return mean @ Wl + bl + xt @ Wr


def _bn(h, g, b, eps=1e-5):
    # BatchNorm1d in training mode: batch statistics (biased variance)
    m = h.mean(axis=0)
    v = h.var(axis=0)
    return (h - m) / jnp.sqrt(v + eps) * g + b


def setup_inputs(seed: int = 0) -> dict:
    key = jax.random.key(seed)
    ks = jax.random.split(key, 16)
    inp = {}
    inp['x'] = jax.random.normal(ks[0], (N0, D_IN), jnp.float32)
    ei0 = jnp.stack([jax.random.randint(ks[1], (E0,), 0, N0),
                     jax.random.randint(ks[2], (E0,), 0, N1)]).astype(jnp.int32)
    ei1 = jnp.stack([jax.random.randint(ks[3], (E1,), 0, N1),
                     jax.random.randint(ks[4], (E1,), 0, N2)]).astype(jnp.int32)
    inp['edge_index0'] = ei0
    inp['edge_index1'] = ei1

    def lin(k, i, o):
        return jax.random.normal(k, (i, o), jnp.float32) * (1.0 / np.sqrt(i))

    # gnn1_pool (SAGE: 128->128, 128->20)
    inp['Wl0p'] = lin(ks[5], D_IN, D_H); inp['bl0p'] = jnp.zeros((D_H,), jnp.float32); inp['Wr0p'] = lin(ks[6], D_IN, D_H)
    inp['g0p'] = jnp.ones((D_H,), jnp.float32); inp['b0p'] = jnp.zeros((D_H,), jnp.float32)
    inp['Wl1p'] = lin(ks[7], D_H, D_POOL); inp['bl1p'] = jnp.zeros((D_POOL,), jnp.float32); inp['Wr1p'] = lin(ks[8], D_H, D_POOL)
    inp['g1p'] = jnp.ones((D_POOL,), jnp.float32); inp['b1p'] = jnp.zeros((D_POOL,), jnp.float32)
    # gnn1_embed (SAGE: 128->128, 128->128)
    inp['Wl0e'] = lin(ks[9], D_IN, D_H); inp['bl0e'] = jnp.zeros((D_H,), jnp.float32); inp['Wr0e'] = lin(ks[10], D_IN, D_H)
    inp['g0e'] = jnp.ones((D_H,), jnp.float32); inp['b0e'] = jnp.zeros((D_H,), jnp.float32)
    inp['Wl1e'] = lin(ks[11], D_H, D_H); inp['bl1e'] = jnp.zeros((D_H,), jnp.float32); inp['Wr1e'] = lin(ks[12], D_H, D_H)
    inp['g1e'] = jnp.ones((D_H,), jnp.float32); inp['b1e'] = jnp.zeros((D_H,), jnp.float32)
    return inp


def reference(x, edge_index0, edge_index1,
              Wl0p, bl0p, Wr0p, g0p, b0p, Wl1p, bl1p, Wr1p, g1p, b1p,
              Wl0e, bl0e, Wr0e, g0e, b0e, Wl1e, bl1e, Wr1e, g1e, b1e):
    # gnn1_pool branch -> s
    s = _bn(jax.nn.relu(_sage(x, edge_index0, N1, Wl0p, bl0p, Wr0p)), g0p, b0p)
    s = _bn(jax.nn.relu(_sage(s, edge_index1, N2, Wl1p, bl1p, Wr1p)), g1p, b1p)
    # gnn1_embed branch -> h
    h = _bn(jax.nn.relu(_sage(x, edge_index0, N1, Wl0e, bl0e, Wr0e)), g0e, b0e)
    h = _bn(jax.nn.relu(_sage(h, edge_index1, N2, Wl1e, bl1e, Wr1e)), g1e, b1e)
    # clusters computed but unused (faithful to original forward)
    clusters = jnp.argmax(jax.nn.softmax(s, axis=-1), axis=-1)
    del clusters
    return jax.nn.log_softmax(h, axis=-1)

if __name__ == "__main__":
    import jax
    _d = setup_inputs()
    print(jax.jit(kernel)(*tuple(_d.values())))

</pallas_src>

<mosaic_0001>
#map = affine_map<(d0, d1) -> (0, 0)>
#map1 = affine_map<(d0, d1) -> (0, 0, 0)>
#map2 = affine_map<(d0, d1) -> (0)>
module attributes {stable_mosaic.version = 14 : i64} {
  func.func @seg(%arg0: i32, %arg1: i32, %arg2: memref<10000x128xf32, #tpu.memory_space<hbm>>, %arg3: memref<32x81x128xi32, #tpu.memory_space<hbm>>, %arg4: memref<32x81x128xi32, #tpu.memory_space<hbm>>, %arg5: memref<5120x128xf32, #tpu.memory_space<hbm>>, %arg6: memref<5120xf32, #tpu.memory_space<hbm>>, %arg7: memref<10240x128xf32, #tpu.memory_space<hbm>>, %arg8: memref<32x5120xf32, #tpu.memory_space<hbm>>, %arg9: memref<81x128xi32, #tpu.memory_space<vmem>>, %arg10: memref<81x128xi32, #tpu.memory_space<vmem>>, %arg11: memref<128x128xf32, #tpu.memory_space<vmem>>, %arg12: memref<128x128xf32, #tpu.memory_space<vmem>>, %arg13: memref<128x128xf32, #tpu.memory_space<vmem>>, %arg14: memref<5120xf32, #tpu.memory_space<vmem>>, %arg15: memref<5120x128xf32, #tpu.memory_space<vmem_shared>>, %arg16: memref<!tpu.dma_semaphore, #tpu.memory_space<semaphore_mem>>, %arg17: memref<!tpu.dma_semaphore, #tpu.memory_space<semaphore_mem>>, %arg18: memref<!tpu.dma_semaphore, #tpu.memory_space<semaphore_mem>>, %arg19: memref<!tpu.dma_semaphore, #tpu.memory_space<semaphore_mem>>, %arg20: memref<!tpu.dma_semaphore, #tpu.memory_space<semaphore_mem>>, %arg21: memref<!tpu.dma_semaphore, #tpu.memory_space<semaphore_mem>>) attributes {dimension_semantics = [#tpu.dimension_semantics<core_parallel>, #tpu.dimension_semantics<subcore_parallel>], iteration_bounds = array<i64: 2, 16>, scalar_prefetch = 0 : i64, scratch_operands = 13 : i64, tpu.core_type = #tpu.core_type<sc_vector_subcore>, window_params = [{transform_indices = #map}, {transform_indices = #map1}, {transform_indices = #map1}, {transform_indices = #map}, {transform_indices = #map2}, {transform_indices = #map}, {transform_indices = #map}]} {
    %mul3A = arith.constant 2 : i32
    %mul3A_0 = arith.muli %arg1, %mul3A : i32
    %add3A = arith.addi %mul3A_0, %arg0 : i32
    %mul3A_1 = arith.constant 320 : i32
    %mul3A_2 = arith.muli %arg1, %mul3A_1 : i32
    "tpu.region"() ({
      %run_scoped3A = tpu.sem_alloc : memref<!tpu.dma_semaphore, #tpu.memory_space<semaphore_mem>>
      %dma_start3A_43 = arith.constant 0 : i32
      %dma_start3A_44 = arith.constant 0 : i32
      %dma_start3A_45 = tpu.memref_slice %arg3[%add3A, %dma_start3A_43, %dma_start3A_44] : memref<32x81x128xi32, #tpu.memory_space<hbm>> -> memref<1x81x128xi32, #tpu.memory_space<hbm>>
      %dma_start3A_46 = tpu.memref_squeeze %dma_start3A_45 : memref<1x81x128xi32, #tpu.memory_space<hbm>> -> memref<81x128xi32, #tpu.memory_space<hbm>>
      %dma_start3A_47 = arith.constant 0 : i32
      %dma_start3A_48 = arith.constant 0 : i32
      %dma_start3A_49 = tpu.memref_slice %arg3[%add3A, %dma_start3A_47, %dma_start3A_48] : memref<32x81x128xi32, #tpu.memory_space<hbm>> -> memref<1x81x128xi32, #tpu.memory_space<hbm>>
      %dma_start3A_50 = tpu.memref_squeeze %dma_start3A_49 : memref<1x81x128xi32, #tpu.memory_space<hbm>> -> memref<81x128xi32, #tpu.memory_space<hbm>>
      tpu.enqueue_dma source(%dma_start3A_50 : memref<81x128xi32, #tpu.memory_space<hbm>>) target(%arg9 : memref<81x128xi32, #tpu.memory_space<vmem>>) target_semaphore(%run_scoped3A : memref<!tpu.dma_semaphore, #tpu.memory_space<semaphore_mem>>)
      %dma_wait3A_51 = arith.constant 0 : i32
      %dma_wait3A_52 = arith.constant 0 : i32
      %dma_wait3A_53 = tpu.memref_slice %arg3[%add3A, %dma_wait3A_51, %dma_wait3A_52] : memref<32x81x128xi32, #tpu.memory_space<hbm>> -> memref<1x81x128xi32, #tpu.memory_space<hbm>>
      %dma_wait3A_54 = tpu.memref_squeeze %dma_wait3A_53 : memref<1x81x128xi32, #tpu.memory_space<hbm>> -> memref<81x128xi32, #tpu.memory_space<hbm>>
      %dma_wait3A_55 = arith.constant 0 : i32
      %dma_wait3A_56 = arith.constant 0 : i32
      %dma_wait3A_57 = tpu.memref_slice %arg3[%add3A, %dma_wait3A_55, %dma_wait3A_56] : memref<32x81x128xi32, #tpu.memory_space<hbm>> -> memref<1x81x128xi32, #tpu.memory_space<hbm>>
      %dma_wait3A_58 = tpu.memref_squeeze %dma_wait3A_57 : memref<1x81x128xi32, #tpu.memory_space<hbm>> -> memref<81x128xi32, #tpu.memory_space<hbm>>
      tpu.wait_dma2 semaphore(%run_scoped3A : memref<!tpu.dma_semaphore, #tpu.memory_space<semaphore_mem>>) src(%dma_wait3A_58 : memref<81x128xi32, #tpu.memory_space<hbm>>) dst(%arg9 : memref<81x128xi32, #tpu.memory_space<vmem>>)
      tpu.yield
    }) : () -> ()
    "tpu.region"() ({
      %run_scoped3A = tpu.sem_alloc : memref<!tpu.dma_semaphore, #tpu.memory_space<semaphore_mem>>
      %dma_start3A_43 = arith.constant 0 : i32
      %dma_start3A_44 = arith.constant 0 : i32
      %dma_start3A_45 = tpu.memref_slice %arg4[%add3A, %dma_start3A_43, %dma_start3A_44] : memref<32x81x128xi32, #tpu.memory_space<hbm>> -> memref<1x81x128xi32, #tpu.memory_space<hbm>>
      %dma_start3A_46 = tpu.memref_squeeze %dma_start3A_45 : memref<1x81x128xi32, #tpu.memory_space<hbm>> -> memref<81x128xi32, #tpu.memory_space<hbm>>
      %dma_start3A_47 = arith.constant 0 : i32
      %dma_start3A_48 = arith.constant 0 : i32
      %dma_start3A_49 = tpu.memref_slice %arg4[%add3A, %dma_start3A_47, %dma_start3A_48] : memref<32x81x128xi32, #tpu.memory_space<hbm>> -> memref<1x81x128xi32, #tpu.memory_space<hbm>>
      %dma_start3A_50 = tpu.memref_squeeze %dma_start3A_49 : memref<1x81x128xi32, #tpu.memory_space<hbm>> -> memref<81x128xi32, #tpu.memory_space<hbm>>
      tpu.enqueue_dma source(%dma_start3A_50 : memref<81x128xi32, #tpu.memory_space<hbm>>) target(%arg10 : memref<81x128xi32, #tpu.memory_space<vmem>>) target_semaphore(%run_scoped3A : memref<!tpu.dma_semaphore, #tpu.memory_space<semaphore_mem>>)
      %dma_wait3A_51 = arith.constant 0 : i32
      %dma_wait3A_52 = arith.constant 0 : i32
      %dma_wait3A_53 = tpu.memref_slice %arg4[%add3A, %dma_wait3A_51, %dma_wait3A_52] : memref<32x81x128xi32, #tpu.memory_space<hbm>> -> memref<1x81x128xi32, #tpu.memory_space<hbm>>
      %dma_wait3A_54 = tpu.memref_squeeze %dma_wait3A_53 : memref<1x81x128xi32, #tpu.memory_space<hbm>> -> memref<81x128xi32, #tpu.memory_space<hbm>>
      %dma_wait3A_55 = arith.constant 0 : i32
      %dma_wait3A_56 = arith.constant 0 : i32
      %dma_wait3A_57 = tpu.memref_slice %arg4[%add3A, %dma_wait3A_55, %dma_wait3A_56] : memref<32x81x128xi32, #tpu.memory_space<hbm>> -> memref<1x81x128xi32, #tpu.memory_space<hbm>>
      %dma_wait3A_58 = tpu.memref_squeeze %dma_wait3A_57 : memref<1x81x128xi32, #tpu.memory_space<hbm>> -> memref<81x128xi32, #tpu.memory_space<hbm>>
      tpu.wait_dma2 semaphore(%run_scoped3A : memref<!tpu.dma_semaphore, #tpu.memory_space<semaphore_mem>>) src(%dma_wait3A_58 : memref<81x128xi32, #tpu.memory_space<hbm>>) dst(%arg10 : memref<81x128xi32, #tpu.memory_space<vmem>>)
      tpu.yield
    }) : () -> ()
    "tpu.region"() ({
      %run_scoped3A = tpu.sem_alloc : memref<!tpu.dma_semaphore, #tpu.memory_space<semaphore_mem>>
      %dma_start3A_43 = arith.constant 0 : i32
      %dma_start3A_44 = tpu.memref_slice %arg15[%mul3A_2, %dma_start3A_43] : memref<5120x128xf32, #tpu.memory_space<vmem_shared>> -> memref<320x128xf32, #tpu.memory_space<vmem_shared>>
      %dma_start3A_45 = arith.constant 0 : i32
      %dma_start3A_46 = tpu.memref_slice %arg5[%mul3A_2, %dma_start3A_45] : memref<5120x128xf32, #tpu.memory_space<hbm>> -> memref<320x128xf32, #tpu.memory_space<hbm>>
      tpu.enqueue_dma source(%dma_start3A_46 : memref<320x128xf32, #tpu.memory_space<hbm>>) target(%dma_start3A_44 : memref<320x128xf32, #tpu.memory_space<vmem_shared>>) target_semaphore(%run_scoped3A : memref<!tpu.dma_semaphore, #tpu.memory_space<semaphore_mem>>)
      %dma_wait3A_47 = arith.constant 0 : i32
      %dma_wait3A_48 = tpu.memref_slice %arg15[%mul3A_2, %dma_wait3A_47] : memref<5120x128xf32, #tpu.memory_space<vmem_shared>> -> memref<320x128xf32, #tpu.memory_space<vmem_shared>>
      %dma_wait3A_49 = arith.constant 0 : i32
      %dma_wait3A_50 = tpu.memref_slice %arg5[%mul3A_2, %dma_wait3A_49] : memref<5120x128xf32, #tpu.memory_space<hbm>> -> memref<320x128xf32, #tpu.memory_space<hbm>>
      tpu.wait_dma2 semaphore(%run_scoped3A : memref<!tpu.dma_semaphore, #tpu.memory_space<semaphore_mem>>) src(%dma_wait3A_50 : memref<320x128xf32, #tpu.memory_space<hbm>>) dst(%dma_wait3A_48 : memref<320x128xf32, #tpu.memory_space<vmem_shared>>)
      tpu.yield
    }) : () -> ()
    "tpu.region"() ({
      %run_scoped3A = tpu.sem_alloc : memref<!tpu.dma_semaphore, #tpu.memory_space<semaphore_mem>>
      %dma_start3A_43 = arith.constant 0 : i32
      %dma_start3A_44 = tpu.memref_slice %arg6[%dma_start3A_43] : memref<5120xf32, #tpu.memory_space<hbm>> -> memref<5120xf32, #tpu.memory_space<hbm>>
      %dma_start3A_45 = arith.constant 0 : i32
      %dma_start3A_46 = tpu.memref_slice %arg6[%dma_start3A_45] : memref<5120xf32, #tpu.memory_space<hbm>> -> memref<5120xf32, #tpu.memory_space<hbm>>
      tpu.enqueue_dma source(%dma_start3A_46 : memref<5120xf32, #tpu.memory_space<hbm>>) target(%arg14 : memref<5120xf32, #tpu.memory_space<vmem>>) target_semaphore(%run_scoped3A : memref<!tpu.dma_semaphore, #tpu.memory_space<semaphore_mem>>)
      %dma_wait3A_47 = arith.constant 0 : i32
      %dma_wait3A_48 = tpu.memref_slice %arg6[%dma_wait3A_47] : memref<5120xf32, #tpu.memory_space<hbm>> -> memref<5120xf32, #tpu.memory_space<hbm>>
      %dma_wait3A_49 = arith.constant 0 : i32
      %dma_wait3A_50 = tpu.memref_slice %arg6[%dma_wait3A_49] : memref<5120xf32, #tpu.memory_space<hbm>> -> memref<5120xf32, #tpu.memory_space<hbm>>
      tpu.wait_dma2 semaphore(%run_scoped3A : memref<!tpu.dma_semaphore, #tpu.memory_space<semaphore_mem>>) src(%dma_wait3A_50 : memref<5120xf32, #tpu.memory_space<hbm>>) dst(%arg14 : memref<5120xf32, #tpu.memory_space<vmem>>)
      tpu.yield
    }) : () -> ()
    %barrier3A = arith.constant 0 : index
    tpu.barrier barrier_id(%barrier3A)
    %broadcast_in_dim3A = arith.constant 1.000000e+00 : f32
    %broadcast_in_dim3A_3 = vector.broadcast %broadcast_in_dim3A : f32 to vector<16xf32>
    %dma_start3A = arith.constant 0 : i32
    %dma_start3A_4 = arith.constant 0 : i32
    %dma_start3A_5 = tpu.memref_slice %arg9[%dma_start3A, %dma_start3A_4] : memref<81x128xi32, #tpu.memory_space<vmem>> -> memref<1x128xi32, #tpu.memory_space<vmem>>
    %dma_start3A_6 = tpu.memref_squeeze %dma_start3A_5 : memref<1x128xi32, #tpu.memory_space<vmem>> -> memref<128xi32, #tpu.memory_space<vmem>>
    %dma_start3A_7 = arith.constant 0 : i32
    %dma_start3A_8 = arith.constant 0 : i32
    %dma_start3A_9 = tpu.memref_slice %arg2[%dma_start3A_7, %dma_start3A_8] : memref<10000x128xf32, #tpu.memory_space<hbm>> -> memref<10000x128xf32, #tpu.memory_space<hbm>>
    tpu.enqueue_indirect_dma source(%dma_start3A_9 : memref<10000x128xf32, #tpu.memory_space<hbm>>) target(%arg11 : memref<128x128xf32, #tpu.memory_space<vmem>>) offsets(%dma_start3A_6 : memref<128xi32, #tpu.memory_space<vmem>>) semaphore(%arg16 : memref<!tpu.dma_semaphore, #tpu.memory_space<semaphore_mem>>)
    %dma_start3A_10 = arith.constant 1 : i32
    %dma_start3A_11 = arith.constant 0 : i32
    %dma_start3A_12 = tpu.memref_slice %arg9[%dma_start3A_10, %dma_start3A_11] : memref<81x128xi32, #tpu.memory_space<vmem>> -> memref<1x128xi32, #tpu.memory_space<vmem>>
    %dma_start3A_13 = tpu.memref_squeeze %dma_start3A_12 : memref<1x128xi32, #tpu.memory_space<vmem>> -> memref<128xi32, #tpu.memory_space<vmem>>
    %dma_start3A_14 = arith.constant 0 : i32
    %dma_start3A_15 = arith.constant 0 : i32
    %dma_start3A_16 = tpu.memref_slice %arg2[%dma_start3A_14, %dma_start3A_15] : memref<10000x128xf32, #tpu.memory_space<hbm>> -> memref<10000x128xf32, #tpu.memory_space<hbm>>
    tpu.enqueue_indirect_dma source(%dma_start3A_16 : memref<10000x128xf32, #tpu.memory_space<hbm>>) target(%arg12 : memref<128x128xf32, #tpu.memory_space<vmem>>) offsets(%dma_start3A_13 : memref<128xi32, #tpu.memory_space<vmem>>) semaphore(%arg17 : memref<!tpu.dma_semaphore, #tpu.memory_space<semaphore_mem>>)
    %scan3A = arith.constant 0 : i32
    %scan3A_17 = arith.constant 0 : i32
    %scan3A_18 = arith.constant 27 : i32
    %scan3A_19 = arith.addi %scan3A_17, %scan3A_18 : i32
    %scan3A_20 = arith.constant 1 : i32
    scf.for %scan3A_43 = %scan3A_17 to %scan3A_19 step %scan3A_20  : i32 {
      %mul3A_44 = arith.constant 3 : i32
      %mul3A_45 = arith.muli %scan3A_43, %mul3A_44 : i32
      %add3A_46 = arith.constant 0 : i32
      %add3A_47 = arith.addi %mul3A_45, %add3A_46 : i32
      %dma_wait3A_48 = arith.constant 0 : i32
      %dma_wait3A_49 = arith.constant 0 : i32
      %dma_wait3A_50 = tpu.memref_slice %arg2[%dma_wait3A_48, %dma_wait3A_49] : memref<10000x128xf32, #tpu.memory_space<hbm>> -> memref<128x128xf32, #tpu.memory_space<hbm>>
      %dma_wait3A_51 = arith.constant 0 : i32
      %dma_wait3A_52 = arith.constant 0 : i32
      %dma_wait3A_53 = tpu.memref_slice %arg2[%dma_wait3A_51, %dma_wait3A_52] : memref<10000x128xf32, #tpu.memory_space<hbm>> -> memref<128x128xf32, #tpu.memory_space<hbm>>
      tpu.wait_dma2 semaphore(%arg16 : memref<!tpu.dma_semaphore, #tpu.memory_space<semaphore_mem>>) src(%dma_wait3A_53 : memref<128x128xf32, #tpu.memory_space<hbm>>) dst(%arg11 : memref<128x128xf32, #tpu.memory_space<vmem>>)
      %dma_start3A_54 = arith.constant 0 : i32
      %dma_start3A_55 = tpu.memref_slice %arg10[%add3A_47, %dma_start3A_54] : memref<81x128xi32, #tpu.memory_space<vmem>> -> memref<1x128xi32, #tpu.memory_space<vmem>>
      %dma_start3A_56 = tpu.memref_squeeze %dma_start3A_55 : memref<1x128xi32, #tpu.memory_space<vmem>> -> memref<128xi32, #tpu.memory_space<vmem>>
      %dma_start3A_57 = arith.constant 0 : i32
      %dma_start3A_58 = arith.constant 0 : i32
      %dma_start3A_59 = tpu.memref_slice %arg15[%dma_start3A_57, %dma_start3A_58] : memref<5120x128xf32, #tpu.memory_space<vmem_shared>> -> memref<5120x128xf32, #tpu.memory_space<vmem_shared>>
      tpu.enqueue_indirect_dma source(%arg11 : memref<128x128xf32, #tpu.memory_space<vmem>>) target(%dma_start3A_59 : memref<5120x128xf32, #tpu.memory_space<vmem_shared>>) offsets(%dma_start3A_56 : memref<128xi32, #tpu.memory_space<vmem>>) semaphore(%arg19 : memref<!tpu.dma_semaphore, #tpu.memory_space<semaphore_mem>>) {add = true}
      %gt3A = arith.constant 0 : i32
      %gt3A_60 = arith.cmpi sgt, %scan3A_43, %gt3A : i32
      %convert_element_type3A = arith.extui %gt3A_60 : i1 to i32
      %cond3A = arith.constant 0 : i32
      %cond3A_61 = arith.cmpi ne, %convert_element_type3A, %cond3A : i32
      scf.if %cond3A_61 {
        %dma_wait3A_206 = arith.constant 0 : i32
        %dma_wait3A_207 = arith.constant 0 : i32
        %dma_wait3A_208 = tpu.memref_slice %arg2[%dma_wait3A_206, %dma_wait3A_207] : memref<10000x128xf32, #tpu.memory_space<hbm>> -> memref<128x128xf32, #tpu.memory_space<hbm>>
        %dma_wait3A_209 = arith.constant 0 : i32
        %dma_wait3A_210 = arith.constant 0 : i32
        %dma_wait3A_211 = tpu.memref_slice %arg2[%dma_wait3A_209, %dma_wait3A_210] : memref<10000x128xf32, #tpu.memory_space<hbm>> -> memref<128x128xf32, #tpu.memory_space<hbm>>
        tpu.wait_dma2 semaphore(%arg21 : memref<!tpu.dma_semaphore, #tpu.memory_space<semaphore_mem>>) src(%dma_wait3A_211 : memref<128x128xf32, #tpu.memory_space<hbm>>) dst(%arg13 : memref<128x128xf32, #tpu.memory_space<vmem>>)
      } else {
      }
      %add3A_62 = arith.constant 2 : i32
      %add3A_63 = arith.addi %add3A_47, %add3A_62 : i32
      %rem3A = arith.constant 81 : i32
      %rem3A_64 = arith.remsi %add3A_63, %rem3A : i32
      %dma_start3A_65 = arith.constant 0 : i32
      %dma_start3A_66 = tpu.memref_slice %arg9[%rem3A_64, %dma_start3A_65] : memref<81x128xi32, #tpu.memory_space<vmem>> -> memref<1x128xi32, #tpu.memory_space<vmem>>
      %dma_start3A_67 = tpu.memref_squeeze %dma_start3A_66 : memref<1x128xi32, #tpu.memory_space<vmem>> -> memref<128xi32, #tpu.memory_space<vmem>>
      %dma_start3A_68 = arith.constant 0 : i32
      %dma_start3A_69 = arith.constant 0 : i32
      %dma_start3A_70 = tpu.memref_slice %arg2[%dma_start3A_68, %dma_start3A_69] : memref<10000x128xf32, #tpu.memory_space<hbm>> -> memref<10000x128xf32, #tpu.memory_space<hbm>>
      tpu.enqueue_indirect_dma source(%dma_start3A_70 : memref<10000x128xf32, #tpu.memory_space<hbm>>) target(%arg13 : memref<128x128xf32, #tpu.memory_space<vmem>>) offsets(%dma_start3A_67 : memref<128xi32, #tpu.memory_space<vmem>>) semaphore(%arg18 : memref<!tpu.dma_semaphore, #tpu.memory_space<semaphore_mem>>)
      %get3A = arith.index_cast %add3A_47 : i32 to index
      %get3A_71 = arith.constant 0 : index
      %get3A_72 = tpu.vector_load %arg10[%get3A, %get3A_71] {strides = array<i32>} : memref<81x128xi32, #tpu.memory_space<vmem>>, vector<16xi32>,
      tpu.vector_store_idx %arg14[%get3A_72], %broadcast_in_dim3A_3 {add = true} : memref<5120xf32, #tpu.memory_space<vmem>>[vector<16xi32>], vector<16xf32>,
      %get3A_73 = arith.index_cast %add3A_47 : i32 to index
      %get3A_74 = arith.constant 16 : index
      %get3A_75 = tpu.vector_load %arg10[%get3A_73, %get3A_74] {strides = array<i32>} : memref<81x128xi32, #tpu.memory_space<vmem>>, vector<16xi32>,
      tpu.vector_store_idx %arg14[%get3A_75], %broadcast_in_dim3A_3 {add = true} : memref<5120xf32, #tpu.memory_space<vmem>>[vector<16xi32>], vector<16xf32>,
      %get3A_76 = arith.index_cast %add3A_47 : i32 to index
      %get3A_77 = arith.constant 32 : index
      %get3A_78 = tpu.vector_load %arg10[%get3A_76, %get3A_77] {strides = array<i32>} : memref<81x128xi32, #tpu.memory_space<vmem>>, vector<16xi32>,
      tpu.vector_store_idx %arg14[%get3A_78], %broadcast_in_dim3A_3 {add = true} : memref<5120xf32, #tpu.memory_space<vmem>>[vector<16xi32>], vector<16xf32>,
      %get3A_79 = arith.index_cast %add3A_47 : i32 to index
      %get3A_80 = arith.constant 48 : index
      %get3A_81 = tpu.vector_load %arg10[%get3A_79, %get3A_80] {strides = array<i32>} : memref<81x128xi32, #tpu.memory_space<vmem>>, vector<16xi32>,
      tpu.vector_store_idx %arg14[%get3A_81], %broadcast_in_dim3A_3 {add = true} : memref<5120xf32, #tpu.memory_space<vmem>>[vector<16xi32>], vector<16xf32>,
      %get3A_82 = arith.index_cast %add3A_47 : i32 to index
      %get3A_83 = arith.constant 64 : index
      %get3A_84 = tpu.vector_load %arg10[%get3A_82, %get3A_83] {strides = array<i32>} : memref<81x128xi32, #tpu.memory_space<vmem>>, vector<16xi32>,
      tpu.vector_store_idx %arg14[%get3A_84], %broadcast_in_dim3A_3 {add = true} : memref<5120xf32, #tpu.memory_space<vmem>>[vector<16xi32>], vector<16xf32>,
      %get3A_85 = arith.index_cast %add3A_47 : i32 to index
      %get3A_86 = arith.constant 80 : index
      %get3A_87 = tpu.vector_load %arg10[%get3A_85, %get3A_86] {strides = array<i32>} : memref<81x128xi32, #tpu.memory_space<vmem>>, vector<16xi32>,
      tpu.vector_store_idx %arg14[%get3A_87], %broadcast_in_dim3A_3 {add = true} : memref<5120xf32, #tpu.memory_space<vmem>>[vector<16xi32>], vector<16xf32>,
      %get3A_88 = arith.index_cast %add3A_47 : i32 to index
      %get3A_89 = arith.constant 96 : index
      %get3A_90 = tpu.vector_load %arg10[%get3A_88, %get3A_89] {strides = array<i32>} : memref<81x128xi32, #tpu.memory_space<vmem>>, vector<16xi32>,
      tpu.vector_store_idx %arg14[%get3A_90], %broadcast_in_dim3A_3 {add = true} : memref<5120xf32, #tpu.memory_space<vmem>>[vector<16xi32>], vector<16xf32>,
      %get3A_91 = arith.index_cast %add3A_47 : i32 to index
      %get3A_92 = arith.constant 112 : index
      %get3A_93 = tpu.vector_load %arg10[%get3A_91, %get3A_92] {strides = array<i32>} : memref<81x128xi32, #tpu.memory_space<vmem>>, vector<16xi32>,
      tpu.vector_store_idx %arg14[%get3A_93], %broadcast_in_dim3A_3 {add = true} : memref<5120xf32, #tpu.memory_space<vmem>>[vector<16xi32>], vector<16xf32>,
      %mul3A_94 = arith.constant 3 : i32
      %mul3A_95 = arith.muli %scan3A_43, %mul3A_94 : i32
      %add3A_96 = arith.constant 1 : i32
      %add3A_97 = arith.addi %mul3A_95, %add3A_96 : i32
      %dma_wait3A_98 = arith.constant 0 : i32
      %dma_wait3A_99 = arith.constant 0 : i32
      %dma_wait3A_100 = tpu.memref_slice %arg2[%dma_wait3A_98, %dma_wait3A_99] : memref<10000x128xf32, #tpu.memory_space<hbm>> -> memref<128x128xf32, #tpu.memory_space<hbm>>
      %dma_wait3A_101 = arith.constant 0 : i32
      %dma_wait3A_102 = arith.constant 0 : i32
      %dma_wait3A_103 = tpu.memref_slice %arg2[%dma_wait3A_101, %dma_wait3A_102] : memref<10000x128xf32, #tpu.memory_space<hbm>> -> memref<128x128xf32, #tpu.memory_space<hbm>>
      tpu.wait_dma2 semaphore(%arg17 : memref<!tpu.dma_semaphore, #tpu.memory_space<semaphore_mem>>) src(%dma_wait3A_103 : memref<128x128xf32, #tpu.memory_space<hbm>>) dst(%arg12 : memref<128x128xf32, #tpu.memory_space<vmem>>)
      %dma_start3A_104 = arith.constant 0 : i32
      %dma_start3A_105 = tpu.memref_slice %arg10[%add3A_97, %dma_start3A_104] : memref<81x128xi32, #tpu.memory_space<vmem>> -> memref<1x128xi32, #tpu.memory_space<vmem>>
      %dma_start3A_106 = tpu.memref_squeeze %dma_start3A_105 : memref<1x128xi32, #tpu.memory_space<vmem>> -> memref<128xi32, #tpu.memory_space<vmem>>
      %dma_start3A_107 = arith.constant 0 : i32
      %dma_start3A_108 = arith.constant 0 : i32
      %dma_start3A_109 = tpu.memref_slice %arg15[%dma_start3A_107, %dma_start3A_108] : memref<5120x128xf32, #tpu.memory_space<vmem_shared>> -> memref<5120x128xf32, #tpu.memory_space<vmem_shared>>
      tpu.enqueue_indirect_dma source(%arg12 : memref<128x128xf32, #tpu.memory_space<vmem>>) target(%dma_start3A_109 : memref<5120x128xf32, #tpu.memory_space<vmem_shared>>) offsets(%dma_start3A_106 : memref<128xi32, #tpu.memory_space<vmem>>) semaphore(%arg20 : memref<!tpu.dma_semaphore, #tpu.memory_space<semaphore_mem>>) {add = true}
      %dma_wait3A_110 = arith.constant 0 : i32
      %dma_wait3A_111 = arith.constant 0 : i32
      %dma_wait3A_112 = tpu.memref_slice %arg2[%dma_wait3A_110, %dma_wait3A_111] : memref<10000x128xf32, #tpu.memory_space<hbm>> -> memref<128x128xf32, #tpu.memory_space<hbm>>
      %dma_wait3A_113 = arith.constant 0 : i32
      %dma_wait3A_114 = arith.constant 0 : i32
      %dma_wait3A_115 = tpu.memref_slice %arg2[%dma_wait3A_113, %dma_wait3A_114] : memref<10000x128xf32, #tpu.memory_space<hbm>> -> memref<128x128xf32, #tpu.memory_space<hbm>>
      tpu.wait_dma2 semaphore(%arg19 : memref<!tpu.dma_semaphore, #tpu.memory_space<semaphore_mem>>) src(%dma_wait3A_115 : memref<128x128xf32, #tpu.memory_space<hbm>>) dst(%arg11 : memref<128x128xf32, #tpu.memory_space<vmem>>)
      %add3A_116 = arith.constant 2 : i32
      %add3A_117 = arith.addi %add3A_97, %add3A_116 : i32
      %rem3A_118 = arith.constant 81 : i32
      %rem3A_119 = arith.remsi %add3A_117, %rem3A_118 : i32
      %dma_start3A_120 = arith.constant 0 : i32
      %dma_start3A_121 = tpu.memref_slice %arg9[%rem3A_119, %dma_start3A_120] : memref<81x128xi32, #tpu.memory_space<vmem>> -> memref<1x128xi32, #tpu.memory_space<vmem>>
      %dma_start3A_122 = tpu.memref_squeeze %dma_start3A_121 : memref<1x128xi32, #tpu.memory_space<vmem>> -> memref<128xi32, #tpu.memory_space<vmem>>
      %dma_start3A_123 = arith.constant 0 : i32
      %dma_start3A_124 = arith.constant 0 : i32
      %dma_start3A_125 = tpu.memref_slice %arg2[%dma_start3A_123, %dma_start3A_124] : memref<10000x128xf32, #tpu.memory_space<hbm>> -> memref<10000x128xf32, #tpu.memory_space<hbm>>
      tpu.enqueue_indirect_dma source(%dma_start3A_125 : memref<10000x128xf32, #tpu.memory_space<hbm>>) target(%arg11 : memref<128x128xf32, #tpu.memory_space<vmem>>) offsets(%dma_start3A_122 : memref<128xi32, #tpu.memory_space<vmem>>) semaphore(%arg16 : memref<!tpu.dma_semaphore, #tpu.memory_space<semaphore_mem>>)
      %get3A_126 = arith.index_cast %add3A_97 : i32 to index
      %get3A_127 = arith.constant 0 : index
      %get3A_128 = tpu.vector_load %arg10[%get3A_126, %get3A_127] {strides = array<i32>} : memref<81x128xi32, #tpu.memory_space<vmem>>, vector<16xi32>,
      tpu.vector_store_idx %arg14[%get3A_128], %broadcast_in_dim3A_3 {add = true} : memref<5120xf32, #tpu.memory_space<vmem>>[vector<16xi32>], vector<16xf32>,
      %get3A_129 = arith.index_cast %add3A_97 : i32 to index
      %get3A_130 = arith.constant 16 : index
      %get3A_131 = tpu.vector_load %arg10[%get3A_129, %get3A_130] {strides = array<i32>} : memref<81x128xi32, #tpu.memory_space<vmem>>, vector<16xi32>,
      tpu.vector_store_idx %arg14[%get3A_131], %broadcast_in_dim3A_3 {add = true} : memref<5120xf32, #tpu.memory_space<vmem>>[vector<16xi32>], vector<16xf32>,
      %get3A_132 = arith.index_cast %add3A_97 : i32 to index
      %get3A_133 = arith.constant 32 : index
      %get3A_134 = tpu.vector_load %arg10[%get3A_132, %get3A_133] {strides = array<i32>} : memref<81x128xi32, #tpu.memory_space<vmem>>, vector<16xi32>,
      tpu.vector_store_idx %arg14[%get3A_134], %broadcast_in_dim3A_3 {add = true} : memref<5120xf32, #tpu.memory_space<vmem>>[vector<16xi32>], vector<16xf32>,
      %get3A_135 = arith.index_cast %add3A_97 : i32 to index
      %get3A_136 = arith.constant 48 : index
      %get3A_137 = tpu.vector_load %arg10[%get3A_135, %get3A_136] {strides = array<i32>} : memref<81x128xi32, #tpu.memory_space<vmem>>, vector<16xi32>,
      tpu.vector_store_idx %arg14[%get3A_137], %broadcast_in_dim3A_3 {add = true} : memref<5120xf32, #tpu.memory_space<vmem>>[vector<16xi32>], vector<16xf32>,
      %get3A_138 = arith.index_cast %add3A_97 : i32 to index
      %get3A_139 = arith.constant 64 : index
      %get3A_140 = tpu.vector_load %arg10[%get3A_138, %get3A_139] {strides = array<i32>} : memref<81x128xi32, #tpu.memory_space<vmem>>, vector<16xi32>,
      tpu.vector_store_idx %arg14[%get3A_140], %broadcast_in_dim3A_3 {add = true} : memref<5120xf32, #tpu.memory_space<vmem>>[vector<16xi32>], vector<16xf32>,
      %get3A_141 = arith.index_cast %add3A_97 : i32 to index
      %get3A_142 = arith.constant 80 : index
      %get3A_143 = tpu.vector_load %arg10[%get3A_141, %get3A_142] {strides = array<i32>} : memref<81x128xi32, #tpu.memory_space<vmem>>, vector<16xi32>,
      tpu.vector_store_idx %arg14[%get3A_143], %broadcast_in_dim3A_3 {add = true} : memref<5120xf32, #tpu.memory_space<vmem>>[vector<16xi32>], vector<16xf32>,
      %get3A_144 = arith.index_cast %add3A_97 : i32 to index
      %get3A_145 = arith.constant 96 : index
      %get3A_146 = tpu.vector_load %arg10[%get3A_144, %get3A_145] {strides = array<i32>} : memref<81x128xi32, #tpu.memory_space<vmem>>, vector<16xi32>,
      tpu.vector_store_idx %arg14[%get3A_146], %broadcast_in_dim3A_3 {add = true} : memref<5120xf32, #tpu.memory_space<vmem>>[vector<16xi32>], vector<16xf32>,
      %get3A_147 = arith.index_cast %add3A_97 : i32 to index
      %get3A_148 = arith.constant 112 : index
      %get3A_149 = tpu.vector_load %arg10[%get3A_147, %get3A_148] {strides = array<i32>} : memref<81x128xi32, #tpu.memory_space<vmem>>, vector<16xi32>,
      tpu.vector_store_idx %arg14[%get3A_149], %broadcast_in_dim3A_3 {add = true} : memref<5120xf32, #tpu.memory_space<vmem>>[vector<16xi32>], vector<16xf32>,
      %mul3A_150 = arith.constant 3 : i32
      %mul3A_151 = arith.muli %scan3A_43, %mul3A_150 : i32
      %add3A_152 = arith.constant 2 : i32
      %add3A_153 = arith.addi %mul3A_151, %add3A_152 : i32
      %dma_wait3A_154 = arith.constant 0 : i32
      %dma_wait3A_155 = arith.constant 0 : i32
      %dma_wait3A_156 = tpu.memref_slice %arg2[%dma_wait3A_154, %dma_wait3A_155] : memref<10000x128xf32, #tpu.memory_space<hbm>> -> memref<128x128xf32, #tpu.memory_space<hbm>>
      %dma_wait3A_157 = arith.constant 0 : i32
      %dma_wait3A_158 = arith.constant 0 : i32
      %dma_wait3A_159 = tpu.memref_slice %arg2[%dma_wait3A_157, %dma_wait3A_158] : memref<10000x128xf32, #tpu.memory_space<hbm>> -> memref<128x128xf32, #tpu.memory_space<hbm>>
      tpu.wait_dma2 semaphore(%arg18 : memref<!tpu.dma_semaphore, #tpu.memory_space<semaphore_mem>>) src(%dma_wait3A_159 : memref<128x128xf32, #tpu.memory_space<hbm>>) dst(%arg13 : memref<128x128xf32, #tpu.memory_space<vmem>>)
      %dma_start3A_160 = arith.constant 0 : i32
      %dma_start3A_161 = tpu.memref_slice %arg10[%add3A_153, %dma_start3A_160] : memref<81x128xi32, #tpu.memory_space<vmem>> -> memref<1x128xi32, #tpu.memory_space<vmem>>
      %dma_start3A_162 = tpu.memref_squeeze %dma_start3A_161 : memref<1x128xi32, #tpu.memory_space<vmem>> -> memref<128xi32, #tpu.memory_space<vmem>>
      %dma_start3A_163 = arith.constant 0 : i32
      %dma_start3A_164 = arith.constant 0 : i32
      %dma_start3A_165 = tpu.memref_slice %arg15[%dma_start3A_163, %dma_start3A_164] : memref<5120x128xf32, #tpu.memory_space<vmem_shared>> -> memref<5120x128xf32, #tpu.memory_space<vmem_shared>>
      tpu.enqueue_indirect_dma source(%arg13 : memref<128x128xf32, #tpu.memory_space<vmem>>) target(%dma_start3A_165 : memref<5120x128xf32, #tpu.memory_space<vmem_shared>>) offsets(%dma_start3A_162 : memref<128xi32, #tpu.memory_space<vmem>>) semaphore(%arg21 : memref<!tpu.dma_semaphore, #tpu.memory_space<semaphore_mem>>) {add = true}
      %dma_wait3A_166 = arith.constant 0 : i32
      %dma_wait3A_167 = arith.constant 0 : i32
      %dma_wait3A_168 = tpu.memref_slice %arg2[%dma_wait3A_166, %dma_wait3A_167] : memref<10000x128xf32, #tpu.memory_space<hbm>> -> memref<128x128xf32, #tpu.memory_space<hbm>>
      %dma_wait3A_169 = arith.constant 0 : i32
      %dma_wait3A_170 = arith.constant 0 : i32
      %dma_wait3A_171 = tpu.memref_slice %arg2[%dma_wait3A_169, %dma_wait3A_170] : memref<10000x128xf32, #tpu.memory_space<hbm>> -> memref<128x128xf32, #tpu.memory_space<hbm>>
      tpu.wait_dma2 semaphore(%arg20 : memref<!tpu.dma_semaphore, #tpu.memory_space<semaphore_mem>>) src(%dma_wait3A_171 : memref<128x128xf32, #tpu.memory_space<hbm>>) dst(%arg12 : memref<128x128xf32, #tpu.memory_space<vmem>>)
      %add3A_172 = arith.constant 2 : i32
      %add3A_173 = arith.addi %add3A_153, %add3A_172 : i32
      %rem3A_174 = arith.constant 81 : i32
      %rem3A_175 = arith.remsi %add3A_173, %rem3A_174 : i32
      %dma_start3A_176 = arith.constant 0 : i32
      %dma_start3A_177 = tpu.memref_slice %arg9[%rem3A_175, %dma_start3A_176] : memref<81x128xi32, #tpu.memory_space<vmem>> -> memref<1x128xi32, #tpu.memory_space<vmem>>
      %dma_start3A_178 = tpu.memref_squeeze %dma_start3A_177 : memref<1x128xi32, #tpu.memory_space<vmem>> -> memref<128xi32, #tpu.memory_space<vmem>>
      %dma_start3A_179 = arith.constant 0 : i32
      %dma_start3A_180 = arith.constant 0 : i32
      %dma_start3A_181 = tpu.memref_slice %arg2[%dma_start3A_179, %dma_start3A_180] : memref<10000x128xf32, #tpu.memory_space<hbm>> -> memref<10000x128xf32, #tpu.memory_space<hbm>>
      tpu.enqueue_indirect_dma source(%dma_start3A_181 : memref<10000x128xf32, #tpu.memory_space<hbm>>) target(%arg12 : memref<128x128xf32, #tpu.memory_space<vmem>>) offsets(%dma_start3A_178 : memref<128xi32, #tpu.memory_space<vmem>>) semaphore(%arg17 : memref<!tpu.dma_semaphore, #tpu.memory_space<semaphore_mem>>)
      %get3A_182 = arith.index_cast %add3A_153 : i32 to index
      %get3A_183 = arith.constant 0 : index
      %get3A_184 = tpu.vector_load %arg10[%get3A_182, %get3A_183] {strides = array<i32>} : memref<81x128xi32, #tpu.memory_space<vmem>>, vector<16xi32>,
      tpu.vector_store_idx %arg14[%get3A_184], %broadcast_in_dim3A_3 {add = true} : memref<5120xf32, #tpu.memory_space<vmem>>[vector<16xi32>], vector<16xf32>,
      %get3A_185 = arith.index_cast %add3A_153 : i32 to index
      %get3A_186 = arith.constant 16 : index
      %get3A_187 = tpu.vector_load %arg10[%get3A_185, %get3A_186] {strides = array<i32>} : memref<81x128xi32, #tpu.memory_space<vmem>>, vector<16xi32>,
      tpu.vector_store_idx %arg14[%get3A_187], %broadcast_in_dim3A_3 {add = true} : memref<5120xf32, #tpu.memory_space<vmem>>[vector<16xi32>], vector<16xf32>,
      %get3A_188 = arith.index_cast %add3A_153 : i32 to index
      %get3A_189 = arith.constant 32 : index
      %get3A_190 = tpu.vector_load %arg10[%get3A_188, %get3A_189] {strides = array<i32>} : memref<81x128xi32, #tpu.memory_space<vmem>>, vector<16xi32>,
      tpu.vector_store_idx %arg14[%get3A_190], %broadcast_in_dim3A_3 {add = true} : memref<5120xf32, #tpu.memory_space<vmem>>[vector<16xi32>], vector<16xf32>,
      %get3A_191 = arith.index_cast %add3A_153 : i32 to index
      %get3A_192 = arith.constant 48 : index
      %get3A_193 = tpu.vector_load %arg10[%get3A_191, %get3A_192] {strides = array<i32>} : memref<81x128xi32, #tpu.memory_space<vmem>>, vector<16xi32>,
      tpu.vector_store_idx %arg14[%get3A_193], %broadcast_in_dim3A_3 {add = true} : memref<5120xf32, #tpu.memory_space<vmem>>[vector<16xi32>], vector<16xf32>,
      %get3A_194 = arith.index_cast %add3A_153 : i32 to index
      %get3A_195 = arith.constant 64 : index
      %get3A_196 = tpu.vector_load %arg10[%get3A_194, %get3A_195] {strides = array<i32>} : memref<81x128xi32, #tpu.memory_space<vmem>>, vector<16xi32>,
      tpu.vector_store_idx %arg14[%get3A_196], %broadcast_in_dim3A_3 {add = true} : memref<5120xf32, #tpu.memory_space<vmem>>[vector<16xi32>], vector<16xf32>,
      %get3A_197 = arith.index_cast %add3A_153 : i32 to index
      %get3A_198 = arith.constant 80 : index
      %get3A_199 = tpu.vector_load %arg10[%get3A_197, %get3A_198] {strides = array<i32>} : memref<81x128xi32, #tpu.memory_space<vmem>>, vector<16xi32>,
      tpu.vector_store_idx %arg14[%get3A_199], %broadcast_in_dim3A_3 {add = true} : memref<5120xf32, #tpu.memory_space<vmem>>[vector<16xi32>], vector<16xf32>,
      %get3A_200 = arith.index_cast %add3A_153 : i32 to index
      %get3A_201 = arith.constant 96 : index
      %get3A_202 = tpu.vector_load %arg10[%get3A_200, %get3A_201] {strides = array<i32>} : memref<81x128xi32, #tpu.memory_space<vmem>>, vector<16xi32>,
      tpu.vector_store_idx %arg14[%get3A_202], %broadcast_in_dim3A_3 {add = true} : memref<5120xf32, #tpu.memory_space<vmem>>[vector<16xi32>], vector<16xf32>,
      %get3A_203 = arith.index_cast %add3A_153 : i32 to index
      %get3A_204 = arith.constant 112 : index
      %get3A_205 = tpu.vector_load %arg10[%get3A_203, %get3A_204] {strides = array<i32>} : memref<81x128xi32, #tpu.memory_space<vmem>>, vector<16xi32>,
      tpu.vector_store_idx %arg14[%get3A_205], %broadcast_in_dim3A_3 {add = true} : memref<5120xf32, #tpu.memory_space<vmem>>[vector<16xi32>], vector<16xf32>,
    }
    %scan3A_21 = arith.constant 27 : i32
    %dma_wait3A = arith.constant 0 : i32
    %dma_wait3A_22 = arith.constant 0 : i32
    %dma_wait3A_23 = tpu.memref_slice %arg2[%dma_wait3A, %dma_wait3A_22] : memref<10000x128xf32, #tpu.memory_space<hbm>> -> memref<128x128xf32, #tpu.memory_space<hbm>>
    %dma_wait3A_24 = arith.constant 0 : i32
    %dma_wait3A_25 = arith.constant 0 : i32
    %dma_wait3A_26 = tpu.memref_slice %arg2[%dma_wait3A_24, %dma_wait3A_25] : memref<10000x128xf32, #tpu.memory_space<hbm>> -> memref<128x128xf32, #tpu.memory_space<hbm>>
    tpu.wait_dma2 semaphore(%arg21 : memref<!tpu.dma_semaphore, #tpu.memory_space<semaphore_mem>>) src(%dma_wait3A_26 : memref<128x128xf32, #tpu.memory_space<hbm>>) dst(%arg13 : memref<128x128xf32, #tpu.memory_space<vmem>>)
    %dma_wait3A_27 = arith.constant 0 : i32
    %dma_wait3A_28 = arith.constant 0 : i32
    %dma_wait3A_29 = tpu.memref_slice %arg2[%dma_wait3A_27, %dma_wait3A_28] : memref<10000x128xf32, #tpu.memory_space<hbm>> -> memref<128x128xf32, #tpu.memory_space<hbm>>
    %dma_wait3A_30 = arith.constant 0 : i32
    %dma_wait3A_31 = arith.constant 0 : i32
    %dma_wait3A_32 = tpu.memref_slice %arg2[%dma_wait3A_30, %dma_wait3A_31] : memref<10000x128xf32, #tpu.memory_space<hbm>> -> memref<128x128xf32, #tpu.memory_space<hbm>>
    tpu.wait_dma2 semaphore(%arg16 : memref<!tpu.dma_semaphore, #tpu.memory_space<semaphore_mem>>) src(%dma_wait3A_32 : memref<128x128xf32, #tpu.memory_space<hbm>>) dst(%arg11 : memref<128x128xf32, #tpu.memory_space<vmem>>)
    %dma_wait3A_33 = arith.constant 0 : i32
    %dma_wait3A_34 = arith.constant 0 : i32
    %dma_wait3A_35 = tpu.memref_slice %arg2[%dma_wait3A_33, %dma_wait3A_34] : memref<10000x128xf32, #tpu.memory_space<hbm>> -> memref<128x128xf32, #tpu.memory_space<hbm>>
    %dma_wait3A_36 = arith.constant 0 : i32
    %dma_wait3A_37 = arith.constant 0 : i32
    %dma_wait3A_38 = tpu.memref_slice %arg2[%dma_wait3A_36, %dma_wait3A_37] : memref<10000x128xf32, #tpu.memory_space<hbm>> -> memref<128x128xf32, #tpu.memory_space<hbm>>
    tpu.wait_dma2 semaphore(%arg17 : memref<!tpu.dma_semaphore, #tpu.memory_space<semaphore_mem>>) src(%dma_wait3A_38 : memref<128x128xf32, #tpu.memory_space<hbm>>) dst(%arg12 : memref<128x128xf32, #tpu.memory_space<vmem>>)
    %barrier3A_39 = arith.constant 0 : index
    tpu.barrier barrier_id(%barrier3A_39)
    %mul3A_40 = arith.constant 5120 : i32
    %mul3A_41 = arith.muli %arg0, %mul3A_40 : i32
    %add3A_42 = arith.addi %mul3A_41, %mul3A_2 : i32
    "tpu.region"() ({
      %run_scoped3A = tpu.sem_alloc : memref<!tpu.dma_semaphore, #tpu.memory_space<semaphore_mem>>
      %dma_start3A_43 = arith.constant 0 : i32
      %dma_start3A_44 = tpu.memref_slice %arg7[%add3A_42, %dma_start3A_43] : memref<10240x128xf32, #tpu.memory_space<hbm>> -> memref<320x128xf32, #tpu.memory_space<hbm>>
      %dma_start3A_45 = arith.constant 0 : i32
      %dma_start3A_46 = tpu.memref_slice %arg15[%mul3A_2, %dma_start3A_45] : memref<5120x128xf32, #tpu.memory_space<vmem_shared>> -> memref<320x128xf32, #tpu.memory_space<vmem_shared>>
      tpu.enqueue_dma source(%dma_start3A_46 : memref<320x128xf32, #tpu.memory_space<vmem_shared>>) target(%dma_start3A_44 : memref<320x128xf32, #tpu.memory_space<hbm>>) target_semaphore(%run_scoped3A : memref<!tpu.dma_semaphore, #tpu.memory_space<semaphore_mem>>)
      %dma_wait3A_47 = arith.constant 0 : i32
      %dma_wait3A_48 = tpu.memref_slice %arg7[%add3A_42, %dma_wait3A_47] : memref<10240x128xf32, #tpu.memory_space<hbm>> -> memref<320x128xf32, #tpu.memory_space<hbm>>
      %dma_wait3A_49 = arith.constant 0 : i32
      %dma_wait3A_50 = tpu.memref_slice %arg15[%mul3A_2, %dma_wait3A_49] : memref<5120x128xf32, #tpu.memory_space<vmem_shared>> -> memref<320x128xf32, #tpu.memory_space<vmem_shared>>
      tpu.wait_dma2 semaphore(%run_scoped3A : memref<!tpu.dma_semaphore, #tpu.memory_space<semaphore_mem>>) src(%dma_wait3A_50 : memref<320x128xf32, #tpu.memory_space<vmem_shared>>) dst(%dma_wait3A_48 : memref<320x128xf32, #tpu.memory_space<hbm>>)
      tpu.yield
    }) : () -> ()
    "tpu.region"() ({
      %run_scoped3A = tpu.sem_alloc : memref<!tpu.dma_semaphore, #tpu.memory_space<semaphore_mem>>
      %dma_start3A_43 = arith.constant 0 : i32
      %dma_start3A_44 = tpu.memref_slice %arg8[%add3A, %dma_start3A_43] : memref<32x5120xf32, #tpu.memory_space<hbm>> -> memref<1x5120xf32, #tpu.memory_space<hbm>>
      %dma_start3A_45 = tpu.memref_squeeze %dma_start3A_44 : memref<1x5120xf32, #tpu.memory_space<hbm>> -> memref<5120xf32, #tpu.memory_space<hbm>>
      %dma_start3A_46 = arith.constant 0 : i32
      %dma_start3A_47 = tpu.memref_slice %arg8[%add3A, %dma_start3A_46] : memref<32x5120xf32, #tpu.memory_space<hbm>> -> memref<1x5120xf32, #tpu.memory_space<hbm>>
      %dma_start3A_48 = tpu.memref_squeeze %dma_start3A_47 : memref<1x5120xf32, #tpu.memory_space<hbm>> -> memref<5120xf32, #tpu.memory_space<hbm>>
      tpu.enqueue_dma source(%arg14 : memref<5120xf32, #tpu.memory_space<vmem>>) target(%dma_start3A_48 : memref<5120xf32, #tpu.memory_space<hbm>>) target_semaphore(%run_scoped3A : memref<!tpu.dma_semaphore, #tpu.memory_space<semaphore_mem>>)
      %dma_wait3A_49 = arith.constant 0 : i32
      %dma_wait3A_50 = tpu.memref_slice %arg8[%add3A, %dma_wait3A_49] : memref<32x5120xf32, #tpu.memory_space<hbm>> -> memref<1x5120xf32, #tpu.memory_space<hbm>>
      %dma_wait3A_51 = tpu.memref_squeeze %dma_wait3A_50 : memref<1x5120xf32, #tpu.memory_space<hbm>> -> memref<5120xf32, #tpu.memory_space<hbm>>
      %dma_wait3A_52 = arith.constant 0 : i32
      %dma_wait3A_53 = tpu.memref_slice %arg8[%add3A, %dma_wait3A_52] : memref<32x5120xf32, #tpu.memory_space<hbm>> -> memref<1x5120xf32, #tpu.memory_space<hbm>>
      %dma_wait3A_54 = tpu.memref_squeeze %dma_wait3A_53 : memref<1x5120xf32, #tpu.memory_space<hbm>> -> memref<5120xf32, #tpu.memory_space<hbm>>
      tpu.wait_dma2 semaphore(%run_scoped3A : memref<!tpu.dma_semaphore, #tpu.memory_space<semaphore_mem>>) src(%arg14 : memref<5120xf32, #tpu.memory_space<vmem>>) dst(%dma_wait3A_54 : memref<5120xf32, #tpu.memory_space<hbm>>)
      tpu.yield
    }) : () -> ()
    return
  }
}

#map = affine_map<(d0, d1) -> (0, 0)>
#map1 = affine_map<(d0, d1) -> (0, 0, 0)>
#map2 = affine_map<(d0, d1) -> (0)>
module attributes {stable_mosaic.version = 14 : i64} {
  func.func @seg(%arg0: i32, %arg1: i32, %arg2: memref<5000x128xf32, #tpu.memory_space<hbm>>, %arg3: memref<32x42x128xi32, #tpu.memory_space<hbm>>, %arg4: memref<32x42x128xi32, #tpu.memory_space<hbm>>, %arg5: memref<2048x128xf32, #tpu.memory_space<hbm>>, %arg6: memref<2048xf32, #tpu.memory_space<hbm>>, %arg7: memref<4096x128xf32, #tpu.memory_space<hbm>>, %arg8: memref<32x2048xf32, #tpu.memory_space<hbm>>, %arg9: memref<42x128xi32, #tpu.memory_space<vmem>>, %arg10: memref<42x128xi32, #tpu.memory_space<vmem>>, %arg11: memref<128x128xf32, #tpu.memory_space<vmem>>, %arg12: memref<128x128xf32, #tpu.memory_space<vmem>>, %arg13: memref<128x128xf32, #tpu.memory_space<vmem>>, %arg14: memref<2048xf32, #tpu.memory_space<vmem>>, %arg15: memref<2048x128xf32, #tpu.memory_space<vmem_shared>>, %arg16: memref<!tpu.dma_semaphore, #tpu.memory_space<semaphore_mem>>, %arg17: memref<!tpu.dma_semaphore, #tpu.memory_space<semaphore_mem>>, %arg18: memref<!tpu.dma_semaphore, #tpu.memory_space<semaphore_mem>>, %arg19: memref<!tpu.dma_semaphore, #tpu.memory_space<semaphore_mem>>, %arg20: memref<!tpu.dma_semaphore, #tpu.memory_space<semaphore_mem>>, %arg21: memref<!tpu.dma_semaphore, #tpu.memory_space<semaphore_mem>>) attributes {dimension_semantics = [#tpu.dimension_semantics<core_parallel>, #tpu.dimension_semantics<subcore_parallel>], iteration_bounds = array<i64: 2, 16>, scalar_prefetch = 0 : i64, scratch_operands = 13 : i64, tpu.core_type = #tpu.core_type<sc_vector_subcore>, window_params = [{transform_indices = #map}, {transform_indices = #map1}, {transform_indices = #map1}, {transform_indices = #map}, {transform_indices = #map2}, {transform_indices = #map}, {transform_indices = #map}]} {
    %mul3A = arith.constant 2 : i32
    %mul3A_0 = arith.muli %arg1, %mul3A : i32
    %add3A = arith.addi %mul3A_0, %arg0 : i32
    %mul3A_1 = arith.constant 128 : i32
    %mul3A_2 = arith.muli %arg1, %mul3A_1 : i32
    "tpu.region"() ({
      %run_scoped3A = tpu.sem_alloc : memref<!tpu.dma_semaphore, #tpu.memory_space<semaphore_mem>>
      %dma_start3A_43 = arith.constant 0 : i32
      %dma_start3A_44 = arith.constant 0 : i32
      %dma_start3A_45 = tpu.memref_slice %arg3[%add3A, %dma_start3A_43, %dma_start3A_44] : memref<32x42x128xi32, #tpu.memory_space<hbm>> -> memref<1x42x128xi32, #tpu.memory_space<hbm>>
      %dma_start3A_46 = tpu.memref_squeeze %dma_start3A_45 : memref<1x42x128xi32, #tpu.memory_space<hbm>> -> memref<42x128xi32, #tpu.memory_space<hbm>>
      %dma_start3A_47 = arith.constant 0 : i32
      %dma_start3A_48 = arith.constant 0 : i32
      %dma_start3A_49 = tpu.memref_slice %arg3[%add3A, %dma_start3A_47, %dma_start3A_48] : memref<32x42x128xi32, #tpu.memory_space<hbm>> -> memref<1x42x128xi32, #tpu.memory_space<hbm>>
      %dma_start3A_50 = tpu.memref_squeeze %dma_start3A_49 : memref<1x42x128xi32, #tpu.memory_space<hbm>> -> memref<42x128xi32, #tpu.memory_space<hbm>>
      tpu.enqueue_dma source(%dma_start3A_50 : memref<42x128xi32, #tpu.memory_space<hbm>>) target(%arg9 : memref<42x128xi32, #tpu.memory_space<vmem>>) target_semaphore(%run_scoped3A : memref<!tpu.dma_semaphore, #tpu.memory_space<semaphore_mem>>)
      %dma_wait3A_51 = arith.constant 0 : i32
      %dma_wait3A_52 = arith.constant 0 : i32
      %dma_wait3A_53 = tpu.memref_slice %arg3[%add3A, %dma_wait3A_51, %dma_wait3A_52] : memref<32x42x128xi32, #tpu.memory_space<hbm>> -> memref<1x42x128xi32, #tpu.memory_space<hbm>>
      %dma_wait3A_54 = tpu.memref_squeeze %dma_wait3A_53 : memref<1x42x128xi32, #tpu.memory_space<hbm>> -> memref<42x128xi32, #tpu.memory_space<hbm>>
      %dma_wait3A_55 = arith.constant 0 : i32
      %dma_wait3A_56 = arith.constant 0 : i32
      %dma_wait3A_57 = tpu.memref_slice %arg3[%add3A, %dma_wait3A_55, %dma_wait3A_56] : memref<32x42x128xi32, #tpu.memory_space<hbm>> -> memref<1x42x128xi32, #tpu.memory_space<hbm>>
      %dma_wait3A_58 = tpu.memref_squeeze %dma_wait3A_57 : memref<1x42x128xi32, #tpu.memory_space<hbm>> -> memref<42x128xi32, #tpu.memory_space<hbm>>
      tpu.wait_dma2 semaphore(%run_scoped3A : memref<!tpu.dma_semaphore, #tpu.memory_space<semaphore_mem>>) src(%dma_wait3A_58 : memref<42x128xi32, #tpu.memory_space<hbm>>) dst(%arg9 : memref<42x128xi32, #tpu.memory_space<vmem>>)
      tpu.yield
    }) : () -> ()
    "tpu.region"() ({
      %run_scoped3A = tpu.sem_alloc : memref<!tpu.dma_semaphore, #tpu.memory_space<semaphore_mem>>
      %dma_start3A_43 = arith.constant 0 : i32
      %dma_start3A_44 = arith.constant 0 : i32
      %dma_start3A_45 = tpu.memref_slice %arg4[%add3A, %dma_start3A_43, %dma_start3A_44] : memref<32x42x128xi32, #tpu.memory_space<hbm>> -> memref<1x42x128xi32, #tpu.memory_space<hbm>>
      %dma_start3A_46 = tpu.memref_squeeze %dma_start3A_45 : memref<1x42x128xi32, #tpu.memory_space<hbm>> -> memref<42x128xi32, #tpu.memory_space<hbm>>
      %dma_start3A_47 = arith.constant 0 : i32
      %dma_start3A_48 = arith.constant 0 : i32
      %dma_start3A_49 = tpu.memref_slice %arg4[%add3A, %dma_start3A_47, %dma_start3A_48] : memref<32x42x128xi32, #tpu.memory_space<hbm>> -> memref<1x42x128xi32, #tpu.memory_space<hbm>>
      %dma_start3A_50 = tpu.memref_squeeze %dma_start3A_49 : memref<1x42x128xi32, #tpu.memory_space<hbm>> -> memref<42x128xi32, #tpu.memory_space<hbm>>
      tpu.enqueue_dma source(%dma_start3A_50 : memref<42x128xi32, #tpu.memory_space<hbm>>) target(%arg10 : memref<42x128xi32, #tpu.memory_space<vmem>>) target_semaphore(%run_scoped3A : memref<!tpu.dma_semaphore, #tpu.memory_space<semaphore_mem>>)
      %dma_wait3A_51 = arith.constant 0 : i32
      %dma_wait3A_52 = arith.constant 0 : i32
      %dma_wait3A_53 = tpu.memref_slice %arg4[%add3A, %dma_wait3A_51, %dma_wait3A_52] : memref<32x42x128xi32, #tpu.memory_space<hbm>> -> memref<1x42x128xi32, #tpu.memory_space<hbm>>
      %dma_wait3A_54 = tpu.memref_squeeze %dma_wait3A_53 : memref<1x42x128xi32, #tpu.memory_space<hbm>> -> memref<42x128xi32, #tpu.memory_space<hbm>>
      %dma_wait3A_55 = arith.constant 0 : i32
      %dma_wait3A_56 = arith.constant 0 : i32
      %dma_wait3A_57 = tpu.memref_slice %arg4[%add3A, %dma_wait3A_55, %dma_wait3A_56] : memref<32x42x128xi32, #tpu.memory_space<hbm>> -> memref<1x42x128xi32, #tpu.memory_space<hbm>>
      %dma_wait3A_58 = tpu.memref_squeeze %dma_wait3A_57 : memref<1x42x128xi32, #tpu.memory_space<hbm>> -> memref<42x128xi32, #tpu.memory_space<hbm>>
      tpu.wait_dma2 semaphore(%run_scoped3A : memref<!tpu.dma_semaphore, #tpu.memory_space<semaphore_mem>>) src(%dma_wait3A_58 : memref<42x128xi32, #tpu.memory_space<hbm>>) dst(%arg10 : memref<42x128xi32, #tpu.memory_space<vmem>>)
      tpu.yield
    }) : () -> ()
    "tpu.region"() ({
      %run_scoped3A = tpu.sem_alloc : memref<!tpu.dma_semaphore, #tpu.memory_space<semaphore_mem>>
      %dma_start3A_43 = arith.constant 0 : i32
      %dma_start3A_44 = tpu.memref_slice %arg15[%mul3A_2, %dma_start3A_43] : memref<2048x128xf32, #tpu.memory_space<vmem_shared>> -> memref<128x128xf32, #tpu.memory_space<vmem_shared>>
      %dma_start3A_45 = arith.constant 0 : i32
      %dma_start3A_46 = tpu.memref_slice %arg5[%mul3A_2, %dma_start3A_45] : memref<2048x128xf32, #tpu.memory_space<hbm>> -> memref<128x128xf32, #tpu.memory_space<hbm>>
      tpu.enqueue_dma source(%dma_start3A_46 : memref<128x128xf32, #tpu.memory_space<hbm>>) target(%dma_start3A_44 : memref<128x128xf32, #tpu.memory_space<vmem_shared>>) target_semaphore(%run_scoped3A : memref<!tpu.dma_semaphore, #tpu.memory_space<semaphore_mem>>)
      %dma_wait3A_47 = arith.constant 0 : i32
      %dma_wait3A_48 = tpu.memref_slice %arg15[%mul3A_2, %dma_wait3A_47] : memref<2048x128xf32, #tpu.memory_space<vmem_shared>> -> memref<128x128xf32, #tpu.memory_space<vmem_shared>>
      %dma_wait3A_49 = arith.constant 0 : i32
      %dma_wait3A_50 = tpu.memref_slice %arg5[%mul3A_2, %dma_wait3A_49] : memref<2048x128xf32, #tpu.memory_space<hbm>> -> memref<128x128xf32, #tpu.memory_space<hbm>>
      tpu.wait_dma2 semaphore(%run_scoped3A : memref<!tpu.dma_semaphore, #tpu.memory_space<semaphore_mem>>) src(%dma_wait3A_50 : memref<128x128xf32, #tpu.memory_space<hbm>>) dst(%dma_wait3A_48 : memref<128x128xf32, #tpu.memory_space<vmem_shared>>)
      tpu.yield
    }) : () -> ()
    "tpu.region"() ({
      %run_scoped3A = tpu.sem_alloc : memref<!tpu.dma_semaphore, #tpu.memory_space<semaphore_mem>>
      %dma_start3A_43 = arith.constant 0 : i32
      %dma_start3A_44 = tpu.memref_slice %arg6[%dma_start3A_43] : memref<2048xf32, #tpu.memory_space<hbm>> -> memref<2048xf32, #tpu.memory_space<hbm>>
      %dma_start3A_45 = arith.constant 0 : i32
      %dma_start3A_46 = tpu.memref_slice %arg6[%dma_start3A_45] : memref<2048xf32, #tpu.memory_space<hbm>> -> memref<2048xf32, #tpu.memory_space<hbm>>
      tpu.enqueue_dma source(%dma_start3A_46 : memref<2048xf32, #tpu.memory_space<hbm>>) target(%arg14 : memref<2048xf32, #tpu.memory_space<vmem>>) target_semaphore(%run_scoped3A : memref<!tpu.dma_semaphore, #tpu.memory_space<semaphore_mem>>)
      %dma_wait3A_47 = arith.constant 0 : i32
      %dma_wait3A_48 = tpu.memref_slice %arg6[%dma_wait3A_47] : memref<2048xf32, #tpu.memory_space<hbm>> -> memref<2048xf32, #tpu.memory_space<hbm>>
      %dma_wait3A_49 = arith.constant 0 : i32
      %dma_wait3A_50 = tpu.memref_slice %arg6[%dma_wait3A_49] : memref<2048xf32, #tpu.memory_space<hbm>> -> memref<2048xf32, #tpu.memory_space<hbm>>
      tpu.wait_dma2 semaphore(%run_scoped3A : memref<!tpu.dma_semaphore, #tpu.memory_space<semaphore_mem>>) src(%dma_wait3A_50 : memref<2048xf32, #tpu.memory_space<hbm>>) dst(%arg14 : memref<2048xf32, #tpu.memory_space<vmem>>)
      tpu.yield
    }) : () -> ()
    %barrier3A = arith.constant 0 : index
    tpu.barrier barrier_id(%barrier3A)
    %broadcast_in_dim3A = arith.constant 1.000000e+00 : f32
    %broadcast_in_dim3A_3 = vector.broadcast %broadcast_in_dim3A : f32 to vector<16xf32>
    %dma_start3A = arith.constant 0 : i32
    %dma_start3A_4 = arith.constant 0 : i32
    %dma_start3A_5 = tpu.memref_slice %arg9[%dma_start3A, %dma_start3A_4] : memref<42x128xi32, #tpu.memory_space<vmem>> -> memref<1x128xi32, #tpu.memory_space<vmem>>
    %dma_start3A_6 = tpu.memref_squeeze %dma_start3A_5 : memref<1x128xi32, #tpu.memory_space<vmem>> -> memref<128xi32, #tpu.memory_space<vmem>>
    %dma_start3A_7 = arith.constant 0 : i32
    %dma_start3A_8 = arith.constant 0 : i32
    %dma_start3A_9 = tpu.memref_slice %arg2[%dma_start3A_7, %dma_start3A_8] : memref<5000x128xf32, #tpu.memory_space<hbm>> -> memref<5000x128xf32, #tpu.memory_space<hbm>>
    tpu.enqueue_indirect_dma source(%dma_start3A_9 : memref<5000x128xf32, #tpu.memory_space<hbm>>) target(%arg11 : memref<128x128xf32, #tpu.memory_space<vmem>>) offsets(%dma_start3A_6 : memref<128xi32, #tpu.memory_space<vmem>>) semaphore(%arg16 : memref<!tpu.dma_semaphore, #tpu.memory_space<semaphore_mem>>)
    %dma_start3A_10 = arith.constant 1 : i32
    %dma_start3A_11 = arith.constant 0 : i32
    %dma_start3A_12 = tpu.memref_slice %arg9[%dma_start3A_10, %dma_start3A_11] : memref<42x128xi32, #tpu.memory_space<vmem>> -> memref<1x128xi32, #tpu.memory_space<vmem>>
    %dma_start3A_13 = tpu.memref_squeeze %dma_start3A_12 : memref<1x128xi32, #tpu.memory_space<vmem>> -> memref<128xi32, #tpu.memory_space<vmem>>
    %dma_start3A_14 = arith.constant 0 : i32
    %dma_start3A_15 = arith.constant 0 : i32
    %dma_start3A_16 = tpu.memref_slice %arg2[%dma_start3A_14, %dma_start3A_15] : memref<5000x128xf32, #tpu.memory_space<hbm>> -> memref<5000x128xf32, #tpu.memory_space<hbm>>
    tpu.enqueue_indirect_dma source(%dma_start3A_16 : memref<5000x128xf32, #tpu.memory_space<hbm>>) target(%arg12 : memref<128x128xf32, #tpu.memory_space<vmem>>) offsets(%dma_start3A_13 : memref<128xi32, #tpu.memory_space<vmem>>) semaphore(%arg17 : memref<!tpu.dma_semaphore, #tpu.memory_space<semaphore_mem>>)
    %scan3A = arith.constant 0 : i32
    %scan3A_17 = arith.constant 0 : i32
    %scan3A_18 = arith.constant 14 : i32
    %scan3A_19 = arith.addi %scan3A_17, %scan3A_18 : i32
    %scan3A_20 = arith.constant 1 : i32
    scf.for %scan3A_43 = %scan3A_17 to %scan3A_19 step %scan3A_20  : i32 {
      %mul3A_44 = arith.constant 3 : i32
      %mul3A_45 = arith.muli %scan3A_43, %mul3A_44 : i32
      %add3A_46 = arith.constant 0 : i32
      %add3A_47 = arith.addi %mul3A_45, %add3A_46 : i32
      %dma_wait3A_48 = arith.constant 0 : i32
      %dma_wait3A_49 = arith.constant 0 : i32
      %dma_wait3A_50 = tpu.memref_slice %arg2[%dma_wait3A_48, %dma_wait3A_49] : memref<5000x128xf32, #tpu.memory_space<hbm>> -> memref<128x128xf32, #tpu.memory_space<hbm>>
      %dma_wait3A_51 = arith.constant 0 : i32
      %dma_wait3A_52 = arith.constant 0 : i32
      %dma_wait3A_53 = tpu.memref_slice %arg2[%dma_wait3A_51, %dma_wait3A_52] : memref<5000x128xf32, #tpu.memory_space<hbm>> -> memref<128x128xf32, #tpu.memory_space<hbm>>
      tpu.wait_dma2 semaphore(%arg16 : memref<!tpu.dma_semaphore, #tpu.memory_space<semaphore_mem>>) src(%dma_wait3A_53 : memref<128x128xf32, #tpu.memory_space<hbm>>) dst(%arg11 : memref<128x128xf32, #tpu.memory_space<vmem>>)
      %dma_start3A_54 = arith.constant 0 : i32
      %dma_start3A_55 = tpu.memref_slice %arg10[%add3A_47, %dma_start3A_54] : memref<42x128xi32, #tpu.memory_space<vmem>> -> memref<1x128xi32, #tpu.memory_space<vmem>>
      %dma_start3A_56 = tpu.memref_squeeze %dma_start3A_55 : memref<1x128xi32, #tpu.memory_space<vmem>> -> memref<128xi32, #tpu.memory_space<vmem>>
      %dma_start3A_57 = arith.constant 0 : i32
      %dma_start3A_58 = arith.constant 0 : i32
      %dma_start3A_59 = tpu.memref_slice %arg15[%dma_start3A_57, %dma_start3A_58] : memref<2048x128xf32, #tpu.memory_space<vmem_shared>> -> memref<2048x128xf32, #tpu.memory_space<vmem_shared>>
      tpu.enqueue_indirect_dma source(%arg11 : memref<128x128xf32, #tpu.memory_space<vmem>>) target(%dma_start3A_59 : memref<2048x128xf32, #tpu.memory_space<vmem_shared>>) offsets(%dma_start3A_56 : memref<128xi32, #tpu.memory_space<vmem>>) semaphore(%arg19 : memref<!tpu.dma_semaphore, #tpu.memory_space<semaphore_mem>>) {add = true}
      %gt3A = arith.constant 0 : i32
      %gt3A_60 = arith.cmpi sgt, %scan3A_43, %gt3A : i32
      %convert_element_type3A = arith.extui %gt3A_60 : i1 to i32
      %cond3A = arith.constant 0 : i32
      %cond3A_61 = arith.cmpi ne, %convert_element_type3A, %cond3A : i32
      scf.if %cond3A_61 {
        %dma_wait3A_206 = arith.constant 0 : i32
        %dma_wait3A_207 = arith.constant 0 : i32
        %dma_wait3A_208 = tpu.memref_slice %arg2[%dma_wait3A_206, %dma_wait3A_207] : memref<5000x128xf32, #tpu.memory_space<hbm>> -> memref<128x128xf32, #tpu.memory_space<hbm>>
        %dma_wait3A_209 = arith.constant 0 : i32
        %dma_wait3A_210 = arith.constant 0 : i32
        %dma_wait3A_211 = tpu.memref_slice %arg2[%dma_wait3A_209, %dma_wait3A_210] : memref<5000x128xf32, #tpu.memory_space<hbm>> -> memref<128x128xf32, #tpu.memory_space<hbm>>
        tpu.wait_dma2 semaphore(%arg21 : memref<!tpu.dma_semaphore, #tpu.memory_space<semaphore_mem>>) src(%dma_wait3A_211 : memref<128x128xf32, #tpu.memory_space<hbm>>) dst(%arg13 : memref<128x128xf32, #tpu.memory_space<vmem>>)
      } else {
      }
      %add3A_62 = arith.constant 2 : i32
      %add3A_63 = arith.addi %add3A_47, %add3A_62 : i32
      %rem3A = arith.constant 42 : i32
      %rem3A_64 = arith.remsi %add3A_63, %rem3A : i32
      %dma_start3A_65 = arith.constant 0 : i32
      %dma_start3A_66 = tpu.memref_slice %arg9[%rem3A_64, %dma_start3A_65] : memref<42x128xi32, #tpu.memory_space<vmem>> -> memref<1x128xi32, #tpu.memory_space<vmem>>
      %dma_start3A_67 = tpu.memref_squeeze %dma_start3A_66 : memref<1x128xi32, #tpu.memory_space<vmem>> -> memref<128xi32, #tpu.memory_space<vmem>>
      %dma_start3A_68 = arith.constant 0 : i32
      %dma_start3A_69 = arith.constant 0 : i32
      %dma_start3A_70 = tpu.memref_slice %arg2[%dma_start3A_68, %dma_start3A_69] : memref<5000x128xf32, #tpu.memory_space<hbm>> -> memref<5000x128xf32, #tpu.memory_space<hbm>>
      tpu.enqueue_indirect_dma source(%dma_start3A_70 : memref<5000x128xf32, #tpu.memory_space<hbm>>) target(%arg13 : memref<128x128xf32, #tpu.memory_space<vmem>>) offsets(%dma_start3A_67 : memref<128xi32, #tpu.memory_space<vmem>>) semaphore(%arg18 : memref<!tpu.dma_semaphore, #tpu.memory_space<semaphore_mem>>)
      %get3A = arith.index_cast %add3A_47 : i32 to index
      %get3A_71 = arith.constant 0 : index
      %get3A_72 = tpu.vector_load %arg10[%get3A, %get3A_71] {strides = array<i32>} : memref<42x128xi32, #tpu.memory_space<vmem>>, vector<16xi32>,
      tpu.vector_store_idx %arg14[%get3A_72], %broadcast_in_dim3A_3 {add = true} : memref<2048xf32, #tpu.memory_space<vmem>>[vector<16xi32>], vector<16xf32>,
      %get3A_73 = arith.index_cast %add3A_47 : i32 to index
      %get3A_74 = arith.constant 16 : index
      %get3A_75 = tpu.vector_load %arg10[%get3A_73, %get3A_74] {strides = array<i32>} : memref<42x128xi32, #tpu.memory_space<vmem>>, vector<16xi32>,
      tpu.vector_store_idx %arg14[%get3A_75], %broadcast_in_dim3A_3 {add = true} : memref<2048xf32, #tpu.memory_space<vmem>>[vector<16xi32>], vector<16xf32>,
      %get3A_76 = arith.index_cast %add3A_47 : i32 to index
      %get3A_77 = arith.constant 32 : index
      %get3A_78 = tpu.vector_load %arg10[%get3A_76, %get3A_77] {strides = array<i32>} : memref<42x128xi32, #tpu.memory_space<vmem>>, vector<16xi32>,
      tpu.vector_store_idx %arg14[%get3A_78], %broadcast_in_dim3A_3 {add = true} : memref<2048xf32, #tpu.memory_space<vmem>>[vector<16xi32>], vector<16xf32>,
      %get3A_79 = arith.index_cast %add3A_47 : i32 to index
      %get3A_80 = arith.constant 48 : index
      %get3A_81 = tpu.vector_load %arg10[%get3A_79, %get3A_80] {strides = array<i32>} : memref<42x128xi32, #tpu.memory_space<vmem>>, vector<16xi32>,
      tpu.vector_store_idx %arg14[%get3A_81], %broadcast_in_dim3A_3 {add = true} : memref<2048xf32, #tpu.memory_space<vmem>>[vector<16xi32>], vector<16xf32>,
      %get3A_82 = arith.index_cast %add3A_47 : i32 to index
      %get3A_83 = arith.constant 64 : index
      %get3A_84 = tpu.vector_load %arg10[%get3A_82, %get3A_83] {strides = array<i32>} : memref<42x128xi32, #tpu.memory_space<vmem>>, vector<16xi32>,
      tpu.vector_store_idx %arg14[%get3A_84], %broadcast_in_dim3A_3 {add = true} : memref<2048xf32, #tpu.memory_space<vmem>>[vector<16xi32>], vector<16xf32>,
      %get3A_85 = arith.index_cast %add3A_47 : i32 to index
      %get3A_86 = arith.constant 80 : index
      %get3A_87 = tpu.vector_load %arg10[%get3A_85, %get3A_86] {strides = array<i32>} : memref<42x128xi32, #tpu.memory_space<vmem>>, vector<16xi32>,
      tpu.vector_store_idx %arg14[%get3A_87], %broadcast_in_dim3A_3 {add = true} : memref<2048xf32, #tpu.memory_space<vmem>>[vector<16xi32>], vector<16xf32>,
      %get3A_88 = arith.index_cast %add3A_47 : i32 to index
      %get3A_89 = arith.constant 96 : index
      %get3A_90 = tpu.vector_load %arg10[%get3A_88, %get3A_89] {strides = array<i32>} : memref<42x128xi32, #tpu.memory_space<vmem>>, vector<16xi32>,
      tpu.vector_store_idx %arg14[%get3A_90], %broadcast_in_dim3A_3 {add = true} : memref<2048xf32, #tpu.memory_space<vmem>>[vector<16xi32>], vector<16xf32>,
      %get3A_91 = arith.index_cast %add3A_47 : i32 to index
      %get3A_92 = arith.constant 112 : index
      %get3A_93 = tpu.vector_load %arg10[%get3A_91, %get3A_92] {strides = array<i32>} : memref<42x128xi32, #tpu.memory_space<vmem>>, vector<16xi32>,
      tpu.vector_store_idx %arg14[%get3A_93], %broadcast_in_dim3A_3 {add = true} : memref<2048xf32, #tpu.memory_space<vmem>>[vector<16xi32>], vector<16xf32>,
      %mul3A_94 = arith.constant 3 : i32
      %mul3A_95 = arith.muli %scan3A_43, %mul3A_94 : i32
      %add3A_96 = arith.constant 1 : i32
      %add3A_97 = arith.addi %mul3A_95, %add3A_96 : i32
      %dma_wait3A_98 = arith.constant 0 : i32
      %dma_wait3A_99 = arith.constant 0 : i32
      %dma_wait3A_100 = tpu.memref_slice %arg2[%dma_wait3A_98, %dma_wait3A_99] : memref<5000x128xf32, #tpu.memory_space<hbm>> -> memref<128x128xf32, #tpu.memory_space<hbm>>
      %dma_wait3A_101 = arith.constant 0 : i32
      %dma_wait3A_102 = arith.constant 0 : i32
      %dma_wait3A_103 = tpu.memref_slice %arg2[%dma_wait3A_101, %dma_wait3A_102] : memref<5000x128xf32, #tpu.memory_space<hbm>> -> memref<128x128xf32, #tpu.memory_space<hbm>>
      tpu.wait_dma2 semaphore(%arg17 : memref<!tpu.dma_semaphore, #tpu.memory_space<semaphore_mem>>) src(%dma_wait3A_103 : memref<128x128xf32, #tpu.memory_space<hbm>>) dst(%arg12 : memref<128x128xf32, #tpu.memory_space<vmem>>)
      %dma_start3A_104 = arith.constant 0 : i32
      %dma_start3A_105 = tpu.memref_slice %arg10[%add3A_97, %dma_start3A_104] : memref<42x128xi32, #tpu.memory_space<vmem>> -> memref<1x128xi32, #tpu.memory_space<vmem>>
      %dma_start3A_106 = tpu.memref_squeeze %dma_start3A_105 : memref<1x128xi32, #tpu.memory_space<vmem>> -> memref<128xi32, #tpu.memory_space<vmem>>
      %dma_start3A_107 = arith.constant 0 : i32
      %dma_start3A_108 = arith.constant 0 : i32
      %dma_start3A_109 = tpu.memref_slice %arg15[%dma_start3A_107, %dma_start3A_108] : memref<2048x128xf32, #tpu.memory_space<vmem_shared>> -> memref<2048x128xf32, #tpu.memory_space<vmem_shared>>
      tpu.enqueue_indirect_dma source(%arg12 : memref<128x128xf32, #tpu.memory_space<vmem>>) target(%dma_start3A_109 : memref<2048x128xf32, #tpu.memory_space<vmem_shared>>) offsets(%dma_start3A_106 : memref<128xi32, #tpu.memory_space<vmem>>) semaphore(%arg20 : memref<!tpu.dma_semaphore, #tpu.memory_space<semaphore_mem>>) {add = true}
      %dma_wait3A_110 = arith.constant 0 : i32
      %dma_wait3A_111 = arith.constant 0 : i32
      %dma_wait3A_112 = tpu.memref_slice %arg2[%dma_wait3A_110, %dma_wait3A_111] : memref<5000x128xf32, #tpu.memory_space<hbm>> -> memref<128x128xf32, #tpu.memory_space<hbm>>
      %dma_wait3A_113 = arith.constant 0 : i32
      %dma_wait3A_114 = arith.constant 0 : i32
      %dma_wait3A_115 = tpu.memref_slice %arg2[%dma_wait3A_113, %dma_wait3A_114] : memref<5000x128xf32, #tpu.memory_space<hbm>> -> memref<128x128xf32, #tpu.memory_space<hbm>>
      tpu.wait_dma2 semaphore(%arg19 : memref<!tpu.dma_semaphore, #tpu.memory_space<semaphore_mem>>) src(%dma_wait3A_115 : memref<128x128xf32, #tpu.memory_space<hbm>>) dst(%arg11 : memref<128x128xf32, #tpu.memory_space<vmem>>)
      %add3A_116 = arith.constant 2 : i32
      %add3A_117 = arith.addi %add3A_97, %add3A_116 : i32
      %rem3A_118 = arith.constant 42 : i32
      %rem3A_119 = arith.remsi %add3A_117, %rem3A_118 : i32
      %dma_start3A_120 = arith.constant 0 : i32
      %dma_start3A_121 = tpu.memref_slice %arg9[%rem3A_119, %dma_start3A_120] : memref<42x128xi32, #tpu.memory_space<vmem>> -> memref<1x128xi32, #tpu.memory_space<vmem>>
      %dma_start3A_122 = tpu.memref_squeeze %dma_start3A_121 : memref<1x128xi32, #tpu.memory_space<vmem>> -> memref<128xi32, #tpu.memory_space<vmem>>
      %dma_start3A_123 = arith.constant 0 : i32
      %dma_start3A_124 = arith.constant 0 : i32
      %dma_start3A_125 = tpu.memref_slice %arg2[%dma_start3A_123, %dma_start3A_124] : memref<5000x128xf32, #tpu.memory_space<hbm>> -> memref<5000x128xf32, #tpu.memory_space<hbm>>
      tpu.enqueue_indirect_dma source(%dma_start3A_125 : memref<5000x128xf32, #tpu.memory_space<hbm>>) target(%arg11 : memref<128x128xf32, #tpu.memory_space<vmem>>) offsets(%dma_start3A_122 : memref<128xi32, #tpu.memory_space<vmem>>) semaphore(%arg16 : memref<!tpu.dma_semaphore, #tpu.memory_space<semaphore_mem>>)
      %get3A_126 = arith.index_cast %add3A_97 : i32 to index
      %get3A_127 = arith.constant 0 : index
      %get3A_128 = tpu.vector_load %arg10[%get3A_126, %get3A_127] {strides = array<i32>} : memref<42x128xi32, #tpu.memory_space<vmem>>, vector<16xi32>,
      tpu.vector_store_idx %arg14[%get3A_128], %broadcast_in_dim3A_3 {add = true} : memref<2048xf32, #tpu.memory_space<vmem>>[vector<16xi32>], vector<16xf32>,
      %get3A_129 = arith.index_cast %add3A_97 : i32 to index
      %get3A_130 = arith.constant 16 : index
      %get3A_131 = tpu.vector_load %arg10[%get3A_129, %get3A_130] {strides = array<i32>} : memref<42x128xi32, #tpu.memory_space<vmem>>, vector<16xi32>,
      tpu.vector_store_idx %arg14[%get3A_131], %broadcast_in_dim3A_3 {add = true} : memref<2048xf32, #tpu.memory_space<vmem>>[vector<16xi32>], vector<16xf32>,
      %get3A_132 = arith.index_cast %add3A_97 : i32 to index
      %get3A_133 = arith.constant 32 : index
      %get3A_134 = tpu.vector_load %arg10[%get3A_132, %get3A_133] {strides = array<i32>} : memref<42x128xi32, #tpu.memory_space<vmem>>, vector<16xi32>,
      tpu.vector_store_idx %arg14[%get3A_134], %broadcast_in_dim3A_3 {add = true} : memref<2048xf32, #tpu.memory_space<vmem>>[vector<16xi32>], vector<16xf32>,
      %get3A_135 = arith.index_cast %add3A_97 : i32 to index
      %get3A_136 = arith.constant 48 : index
      %get3A_137 = tpu.vector_load %arg10[%get3A_135, %get3A_136] {strides = array<i32>} : memref<42x128xi32, #tpu.memory_space<vmem>>, vector<16xi32>,
      tpu.vector_store_idx %arg14[%get3A_137], %broadcast_in_dim3A_3 {add = true} : memref<2048xf32, #tpu.memory_space<vmem>>[vector<16xi32>], vector<16xf32>,
      %get3A_138 = arith.index_cast %add3A_97 : i32 to index
      %get3A_139 = arith.constant 64 : index
      %get3A_140 = tpu.vector_load %arg10[%get3A_138, %get3A_139] {strides = array<i32>} : memref<42x128xi32, #tpu.memory_space<vmem>>, vector<16xi32>,
      tpu.vector_store_idx %arg14[%get3A_140], %broadcast_in_dim3A_3 {add = true} : memref<2048xf32, #tpu.memory_space<vmem>>[vector<16xi32>], vector<16xf32>,
      %get3A_141 = arith.index_cast %add3A_97 : i32 to index
      %get3A_142 = arith.constant 80 : index
      %get3A_143 = tpu.vector_load %arg10[%get3A_141, %get3A_142] {strides = array<i32>} : memref<42x128xi32, #tpu.memory_space<vmem>>, vector<16xi32>,
      tpu.vector_store_idx %arg14[%get3A_143], %broadcast_in_dim3A_3 {add = true} : memref<2048xf32, #tpu.memory_space<vmem>>[vector<16xi32>], vector<16xf32>,
      %get3A_144 = arith.index_cast %add3A_97 : i32 to index
      %get3A_145 = arith.constant 96 : index
      %get3A_146 = tpu.vector_load %arg10[%get3A_144, %get3A_145] {strides = array<i32>} : memref<42x128xi32, #tpu.memory_space<vmem>>, vector<16xi32>,
      tpu.vector_store_idx %arg14[%get3A_146], %broadcast_in_dim3A_3 {add = true} : memref<2048xf32, #tpu.memory_space<vmem>>[vector<16xi32>], vector<16xf32>,
      %get3A_147 = arith.index_cast %add3A_97 : i32 to index
      %get3A_148 = arith.constant 112 : index
      %get3A_149 = tpu.vector_load %arg10[%get3A_147, %get3A_148] {strides = array<i32>} : memref<42x128xi32, #tpu.memory_space<vmem>>, vector<16xi32>,
      tpu.vector_store_idx %arg14[%get3A_149], %broadcast_in_dim3A_3 {add = true} : memref<2048xf32, #tpu.memory_space<vmem>>[vector<16xi32>], vector<16xf32>,
      %mul3A_150 = arith.constant 3 : i32
      %mul3A_151 = arith.muli %scan3A_43, %mul3A_150 : i32
      %add3A_152 = arith.constant 2 : i32
      %add3A_153 = arith.addi %mul3A_151, %add3A_152 : i32
      %dma_wait3A_154 = arith.constant 0 : i32
      %dma_wait3A_155 = arith.constant 0 : i32
      %dma_wait3A_156 = tpu.memref_slice %arg2[%dma_wait3A_154, %dma_wait3A_155] : memref<5000x128xf32, #tpu.memory_space<hbm>> -> memref<128x128xf32, #tpu.memory_space<hbm>>
      %dma_wait3A_157 = arith.constant 0 : i32
      %dma_wait3A_158 = arith.constant 0 : i32
      %dma_wait3A_159 = tpu.memref_slice %arg2[%dma_wait3A_157, %dma_wait3A_158] : memref<5000x128xf32, #tpu.memory_space<hbm>> -> memref<128x128xf32, #tpu.memory_space<hbm>>
      tpu.wait_dma2 semaphore(%arg18 : memref<!tpu.dma_semaphore, #tpu.memory_space<semaphore_mem>>) src(%dma_wait3A_159 : memref<128x128xf32, #tpu.memory_space<hbm>>) dst(%arg13 : memref<128x128xf32, #tpu.memory_space<vmem>>)
      %dma_start3A_160 = arith.constant 0 : i32
      %dma_start3A_161 = tpu.memref_slice %arg10[%add3A_153, %dma_start3A_160] : memref<42x128xi32, #tpu.memory_space<vmem>> -> memref<1x128xi32, #tpu.memory_space<vmem>>
      %dma_start3A_162 = tpu.memref_squeeze %dma_start3A_161 : memref<1x128xi32, #tpu.memory_space<vmem>> -> memref<128xi32, #tpu.memory_space<vmem>>
      %dma_start3A_163 = arith.constant 0 : i32
      %dma_start3A_164 = arith.constant 0 : i32
      %dma_start3A_165 = tpu.memref_slice %arg15[%dma_start3A_163, %dma_start3A_164] : memref<2048x128xf32, #tpu.memory_space<vmem_shared>> -> memref<2048x128xf32, #tpu.memory_space<vmem_shared>>
      tpu.enqueue_indirect_dma source(%arg13 : memref<128x128xf32, #tpu.memory_space<vmem>>) target(%dma_start3A_165 : memref<2048x128xf32, #tpu.memory_space<vmem_shared>>) offsets(%dma_start3A_162 : memref<128xi32, #tpu.memory_space<vmem>>) semaphore(%arg21 : memref<!tpu.dma_semaphore, #tpu.memory_space<semaphore_mem>>) {add = true}
      %dma_wait3A_166 = arith.constant 0 : i32
      %dma_wait3A_167 = arith.constant 0 : i32
      %dma_wait3A_168 = tpu.memref_slice %arg2[%dma_wait3A_166, %dma_wait3A_167] : memref<5000x128xf32, #tpu.memory_space<hbm>> -> memref<128x128xf32, #tpu.memory_space<hbm>>
      %dma_wait3A_169 = arith.constant 0 : i32
      %dma_wait3A_170 = arith.constant 0 : i32
      %dma_wait3A_171 = tpu.memref_slice %arg2[%dma_wait3A_169, %dma_wait3A_170] : memref<5000x128xf32, #tpu.memory_space<hbm>> -> memref<128x128xf32, #tpu.memory_space<hbm>>
      tpu.wait_dma2 semaphore(%arg20 : memref<!tpu.dma_semaphore, #tpu.memory_space<semaphore_mem>>) src(%dma_wait3A_171 : memref<128x128xf32, #tpu.memory_space<hbm>>) dst(%arg12 : memref<128x128xf32, #tpu.memory_space<vmem>>)
      %add3A_172 = arith.constant 2 : i32
      %add3A_173 = arith.addi %add3A_153, %add3A_172 : i32
      %rem3A_174 = arith.constant 42 : i32
      %rem3A_175 = arith.remsi %add3A_173, %rem3A_174 : i32
      %dma_start3A_176 = arith.constant 0 : i32
      %dma_start3A_177 = tpu.memref_slice %arg9[%rem3A_175, %dma_start3A_176] : memref<42x128xi32, #tpu.memory_space<vmem>> -> memref<1x128xi32, #tpu.memory_space<vmem>>
      %dma_start3A_178 = tpu.memref_squeeze %dma_start3A_177 : memref<1x128xi32, #tpu.memory_space<vmem>> -> memref<128xi32, #tpu.memory_space<vmem>>
      %dma_start3A_179 = arith.constant 0 : i32
      %dma_start3A_180 = arith.constant 0 : i32
      %dma_start3A_181 = tpu.memref_slice %arg2[%dma_start3A_179, %dma_start3A_180] : memref<5000x128xf32, #tpu.memory_space<hbm>> -> memref<5000x128xf32, #tpu.memory_space<hbm>>
      tpu.enqueue_indirect_dma source(%dma_start3A_181 : memref<5000x128xf32, #tpu.memory_space<hbm>>) target(%arg12 : memref<128x128xf32, #tpu.memory_space<vmem>>) offsets(%dma_start3A_178 : memref<128xi32, #tpu.memory_space<vmem>>) semaphore(%arg17 : memref<!tpu.dma_semaphore, #tpu.memory_space<semaphore_mem>>)
      %get3A_182 = arith.index_cast %add3A_153 : i32 to index
      %get3A_183 = arith.constant 0 : index
      %get3A_184 = tpu.vector_load %arg10[%get3A_182, %get3A_183] {strides = array<i32>} : memref<42x128xi32, #tpu.memory_space<vmem>>, vector<16xi32>,
      tpu.vector_store_idx %arg14[%get3A_184], %broadcast_in_dim3A_3 {add = true} : memref<2048xf32, #tpu.memory_space<vmem>>[vector<16xi32>], vector<16xf32>,
      %get3A_185 = arith.index_cast %add3A_153 : i32 to index
      %get3A_186 = arith.constant 16 : index
      %get3A_187 = tpu.vector_load %arg10[%get3A_185, %get3A_186] {strides = array<i32>} : memref<42x128xi32, #tpu.memory_space<vmem>>, vector<16xi32>,
      tpu.vector_store_idx %arg14[%get3A_187], %broadcast_in_dim3A_3 {add = true} : memref<2048xf32, #tpu.memory_space<vmem>>[vector<16xi32>], vector<16xf32>,
      %get3A_188 = arith.index_cast %add3A_153 : i32 to index
      %get3A_189 = arith.constant 32 : index
      %get3A_190 = tpu.vector_load %arg10[%get3A_188, %get3A_189] {strides = array<i32>} : memref<42x128xi32, #tpu.memory_space<vmem>>, vector<16xi32>,
      tpu.vector_store_idx %arg14[%get3A_190], %broadcast_in_dim3A_3 {add = true} : memref<2048xf32, #tpu.memory_space<vmem>>[vector<16xi32>], vector<16xf32>,
      %get3A_191 = arith.index_cast %add3A_153 : i32 to index
      %get3A_192 = arith.constant 48 : index
      %get3A_193 = tpu.vector_load %arg10[%get3A_191, %get3A_192] {strides = array<i32>} : memref<42x128xi32, #tpu.memory_space<vmem>>, vector<16xi32>,
      tpu.vector_store_idx %arg14[%get3A_193], %broadcast_in_dim3A_3 {add = true} : memref<2048xf32, #tpu.memory_space<vmem>>[vector<16xi32>], vector<16xf32>,
      %get3A_194 = arith.index_cast %add3A_153 : i32 to index
      %get3A_195 = arith.constant 64 : index
      %get3A_196 = tpu.vector_load %arg10[%get3A_194, %get3A_195] {strides = array<i32>} : memref<42x128xi32, #tpu.memory_space<vmem>>, vector<16xi32>,
      tpu.vector_store_idx %arg14[%get3A_196], %broadcast_in_dim3A_3 {add = true} : memref<2048xf32, #tpu.memory_space<vmem>>[vector<16xi32>], vector<16xf32>,
      %get3A_197 = arith.index_cast %add3A_153 : i32 to index
      %get3A_198 = arith.constant 80 : index
      %get3A_199 = tpu.vector_load %arg10[%get3A_197, %get3A_198] {strides = array<i32>} : memref<42x128xi32, #tpu.memory_space<vmem>>, vector<16xi32>,
      tpu.vector_store_idx %arg14[%get3A_199], %broadcast_in_dim3A_3 {add = true} : memref<2048xf32, #tpu.memory_space<vmem>>[vector<16xi32>], vector<16xf32>,
      %get3A_200 = arith.index_cast %add3A_153 : i32 to index
      %get3A_201 = arith.constant 96 : index
      %get3A_202 = tpu.vector_load %arg10[%get3A_200, %get3A_201] {strides = array<i32>} : memref<42x128xi32, #tpu.memory_space<vmem>>, vector<16xi32>,
      tpu.vector_store_idx %arg14[%get3A_202], %broadcast_in_dim3A_3 {add = true} : memref<2048xf32, #tpu.memory_space<vmem>>[vector<16xi32>], vector<16xf32>,
      %get3A_203 = arith.index_cast %add3A_153 : i32 to index
      %get3A_204 = arith.constant 112 : index
      %get3A_205 = tpu.vector_load %arg10[%get3A_203, %get3A_204] {strides = array<i32>} : memref<42x128xi32, #tpu.memory_space<vmem>>, vector<16xi32>,
      tpu.vector_store_idx %arg14[%get3A_205], %broadcast_in_dim3A_3 {add = true} : memref<2048xf32, #tpu.memory_space<vmem>>[vector<16xi32>], vector<16xf32>,
    }
    %scan3A_21 = arith.constant 14 : i32
    %dma_wait3A = arith.constant 0 : i32
    %dma_wait3A_22 = arith.constant 0 : i32
    %dma_wait3A_23 = tpu.memref_slice %arg2[%dma_wait3A, %dma_wait3A_22] : memref<5000x128xf32, #tpu.memory_space<hbm>> -> memref<128x128xf32, #tpu.memory_space<hbm>>
    %dma_wait3A_24 = arith.constant 0 : i32
    %dma_wait3A_25 = arith.constant 0 : i32
    %dma_wait3A_26 = tpu.memref_slice %arg2[%dma_wait3A_24, %dma_wait3A_25] : memref<5000x128xf32, #tpu.memory_space<hbm>> -> memref<128x128xf32, #tpu.memory_space<hbm>>
    tpu.wait_dma2 semaphore(%arg21 : memref<!tpu.dma_semaphore, #tpu.memory_space<semaphore_mem>>) src(%dma_wait3A_26 : memref<128x128xf32, #tpu.memory_space<hbm>>) dst(%arg13 : memref<128x128xf32, #tpu.memory_space<vmem>>)
    %dma_wait3A_27 = arith.constant 0 : i32
    %dma_wait3A_28 = arith.constant 0 : i32
    %dma_wait3A_29 = tpu.memref_slice %arg2[%dma_wait3A_27, %dma_wait3A_28] : memref<5000x128xf32, #tpu.memory_space<hbm>> -> memref<128x128xf32, #tpu.memory_space<hbm>>
    %dma_wait3A_30 = arith.constant 0 : i32
    %dma_wait3A_31 = arith.constant 0 : i32
    %dma_wait3A_32 = tpu.memref_slice %arg2[%dma_wait3A_30, %dma_wait3A_31] : memref<5000x128xf32, #tpu.memory_space<hbm>> -> memref<128x128xf32, #tpu.memory_space<hbm>>
    tpu.wait_dma2 semaphore(%arg16 : memref<!tpu.dma_semaphore, #tpu.memory_space<semaphore_mem>>) src(%dma_wait3A_32 : memref<128x128xf32, #tpu.memory_space<hbm>>) dst(%arg11 : memref<128x128xf32, #tpu.memory_space<vmem>>)
    %dma_wait3A_33 = arith.constant 0 : i32
    %dma_wait3A_34 = arith.constant 0 : i32
    %dma_wait3A_35 = tpu.memref_slice %arg2[%dma_wait3A_33, %dma_wait3A_34] : memref<5000x128xf32, #tpu.memory_space<hbm>> -> memref<128x128xf32, #tpu.memory_space<hbm>>
    %dma_wait3A_36 = arith.constant 0 : i32
    %dma_wait3A_37 = arith.constant 0 : i32
    %dma_wait3A_38 = tpu.memref_slice %arg2[%dma_wait3A_36, %dma_wait3A_37] : memref<5000x128xf32, #tpu.memory_space<hbm>> -> memref<128x128xf32, #tpu.memory_space<hbm>>
    tpu.wait_dma2 semaphore(%arg17 : memref<!tpu.dma_semaphore, #tpu.memory_space<semaphore_mem>>) src(%dma_wait3A_38 : memref<128x128xf32, #tpu.memory_space<hbm>>) dst(%arg12 : memref<128x128xf32, #tpu.memory_space<vmem>>)
    %barrier3A_39 = arith.constant 0 : index
    tpu.barrier barrier_id(%barrier3A_39)
    %mul3A_40 = arith.constant 2048 : i32
    %mul3A_41 = arith.muli %arg0, %mul3A_40 : i32
    %add3A_42 = arith.addi %mul3A_41, %mul3A_2 : i32
    "tpu.region"() ({
      %run_scoped3A = tpu.sem_alloc : memref<!tpu.dma_semaphore, #tpu.memory_space<semaphore_mem>>
      %dma_start3A_43 = arith.constant 0 : i32
      %dma_start3A_44 = tpu.memref_slice %arg7[%add3A_42, %dma_start3A_43] : memref<4096x128xf32, #tpu.memory_space<hbm>> -> memref<128x128xf32, #tpu.memory_space<hbm>>
      %dma_start3A_45 = arith.constant 0 : i32
      %dma_start3A_46 = tpu.memref_slice %arg15[%mul3A_2, %dma_start3A_45] : memref<2048x128xf32, #tpu.memory_space<vmem_shared>> -> memref<128x128xf32, #tpu.memory_space<vmem_shared>>
      tpu.enqueue_dma source(%dma_start3A_46 : memref<128x128xf32, #tpu.memory_space<vmem_shared>>) target(%dma_start3A_44 : memref<128x128xf32, #tpu.memory_space<hbm>>) target_semaphore(%run_scoped3A : memref<!tpu.dma_semaphore, #tpu.memory_space<semaphore_mem>>)
      %dma_wait3A_47 = arith.constant 0 : i32
      %dma_wait3A_48 = tpu.memref_slice %arg7[%add3A_42, %dma_wait3A_47] : memref<4096x128xf32, #tpu.memory_space<hbm>> -> memref<128x128xf32, #tpu.memory_space<hbm>>
      %dma_wait3A_49 = arith.constant 0 : i32
      %dma_wait3A_50 = tpu.memref_slice %arg15[%mul3A_2, %dma_wait3A_49] : memref<2048x128xf32, #tpu.memory_space<vmem_shared>> -> memref<128x128xf32, #tpu.memory_space<vmem_shared>>
      tpu.wait_dma2 semaphore(%run_scoped3A : memref<!tpu.dma_semaphore, #tpu.memory_space<semaphore_mem>>) src(%dma_wait3A_50 : memref<128x128xf32, #tpu.memory_space<vmem_shared>>) dst(%dma_wait3A_48 : memref<128x128xf32, #tpu.memory_space<hbm>>)
      tpu.yield
    }) : () -> ()
    "tpu.region"() ({
      %run_scoped3A = tpu.sem_alloc : memref<!tpu.dma_semaphore, #tpu.memory_space<semaphore_mem>>
      %dma_start3A_43 = arith.constant 0 : i32
      %dma_start3A_44 = tpu.memref_slice %arg8[%add3A, %dma_start3A_43] : memref<32x2048xf32, #tpu.memory_space<hbm>> -> memref<1x2048xf32, #tpu.memory_space<hbm>>
      %dma_start3A_45 = tpu.memref_squeeze %dma_start3A_44 : memref<1x2048xf32, #tpu.memory_space<hbm>> -> memref<2048xf32, #tpu.memory_space<hbm>>
      %dma_start3A_46 = arith.constant 0 : i32
      %dma_start3A_47 = tpu.memref_slice %arg8[%add3A, %dma_start3A_46] : memref<32x2048xf32, #tpu.memory_space<hbm>> -> memref<1x2048xf32, #tpu.memory_space<hbm>>
      %dma_start3A_48 = tpu.memref_squeeze %dma_start3A_47 : memref<1x2048xf32, #tpu.memory_space<hbm>> -> memref<2048xf32, #tpu.memory_space<hbm>>
      tpu.enqueue_dma source(%arg14 : memref<2048xf32, #tpu.memory_space<vmem>>) target(%dma_start3A_48 : memref<2048xf32, #tpu.memory_space<hbm>>) target_semaphore(%run_scoped3A : memref<!tpu.dma_semaphore, #tpu.memory_space<semaphore_mem>>)
      %dma_wait3A_49 = arith.constant 0 : i32
      %dma_wait3A_50 = tpu.memref_slice %arg8[%add3A, %dma_wait3A_49] : memref<32x2048xf32, #tpu.memory_space<hbm>> -> memref<1x2048xf32, #tpu.memory_space<hbm>>
      %dma_wait3A_51 = tpu.memref_squeeze %dma_wait3A_50 : memref<1x2048xf32, #tpu.memory_space<hbm>> -> memref<2048xf32, #tpu.memory_space<hbm>>
      %dma_wait3A_52 = arith.constant 0 : i32
      %dma_wait3A_53 = tpu.memref_slice %arg8[%add3A, %dma_wait3A_52] : memref<32x2048xf32, #tpu.memory_space<hbm>> -> memref<1x2048xf32, #tpu.memory_space<hbm>>
      %dma_wait3A_54 = tpu.memref_squeeze %dma_wait3A_53 : memref<1x2048xf32, #tpu.memory_space<hbm>> -> memref<2048xf32, #tpu.memory_space<hbm>>
      tpu.wait_dma2 semaphore(%run_scoped3A : memref<!tpu.dma_semaphore, #tpu.memory_space<semaphore_mem>>) src(%arg14 : memref<2048xf32, #tpu.memory_space<vmem>>) dst(%dma_wait3A_54 : memref<2048xf32, #tpu.memory_space<hbm>>)
      tpu.yield
    }) : () -> ()
    return
  }
}

module attributes {stable_mosaic.version = 14 : i64} {
  func.func @body(%arg0: memref<10240x128xf32, #tpu.memory_space<vmem>>, %arg1: memref<32x5120xf32, #tpu.memory_space<vmem>>, %arg2: memref<10000x128xf32, #tpu.memory_space<vmem>>, %arg3: memref<128x128xf32, #tpu.memory_space<vmem>>, %arg4: memref<128xf32, #tpu.memory_space<vmem>>, %arg5: memref<128x128xf32, #tpu.memory_space<vmem>>, %arg6: memref<128xf32, #tpu.memory_space<vmem>>, %arg7: memref<128xf32, #tpu.memory_space<vmem>>, %arg8: memref<5000x128xf32, #tpu.memory_space<vmem>>) attributes {dimension_semantics = [], scalar_prefetch = 0 : i64, scratch_operands = 0 : i64, tpu.core_type = #tpu.core_type<tc>} {
    %get3A = arith.constant 0 : index
    %get3A_0 = arith.constant 0 : index
    %get3A_1 = vector.load %arg0[%get3A, %get3A_0] : memref<10240x128xf32, #tpu.memory_space<vmem>>, vector<5000x128xf32>
    %get3A_2 = arith.constant 5120 : index
    %get3A_3 = arith.constant 0 : index
    %get3A_4 = vector.load %arg0[%get3A_2, %get3A_3] : memref<10240x128xf32, #tpu.memory_space<vmem>>, vector<5000x128xf32>
    %add3A = arith.addf %get3A_1, %get3A_4 : vector<5000x128xf32>
    %get3A_5 = arith.constant 0 : index
    %get3A_6 = arith.constant 0 : index
    %get3A_7 = vector.load %arg1[%get3A_5, %get3A_6] : memref<32x5120xf32, #tpu.memory_space<vmem>>, vector<32x5000xf32>
    %reduce_sum3A = arith.constant dense<0.000000e+00> : vector<5000xf32>
    %reduce_sum3A_8 = vector.multi_reduction <add>, %get3A_7, %reduce_sum3A [0] : vector<32x5000xf32> to vector<5000xf32>
    %max3A = arith.constant 1.000000e+00 : f32
    %max3A_9 = vector.broadcast %max3A : f32 to vector<5000xf32>
    %max3A_10 = arith.maximumf %reduce_sum3A_8, %max3A_9 : vector<5000xf32>
    %broadcast_in_dim3A = vector.shape_cast %max3A_10 : vector<5000xf32> to vector<5000x1xf32>
    %div3A = vector.broadcast %broadcast_in_dim3A : vector<5000x1xf32> to vector<5000x128xf32>
    %div3A_11 = arith.divf %add3A, %div3A : vector<5000x128xf32>
    %get3A_12 = arith.constant 0 : index
    %get3A_13 = arith.constant 0 : index
    %get3A_14 = vector.load %arg2[%get3A_12, %get3A_13] : memref<10000x128xf32, #tpu.memory_space<vmem>>, vector<5000x128xf32>
    %get3A_15 = arith.constant 0 : index
    %get3A_16 = arith.constant 0 : index
    %get3A_17 = vector.load %arg3[%get3A_15, %get3A_16] : memref<128x128xf32, #tpu.memory_space<vmem>>, vector<128x128xf32>
    %dot_general3A = arith.constant dense<0.000000e+00> : vector<5000x128xf32>
    %dot_general3A_18 = tpu.matmul %div3A_11, %get3A_17, %dot_general3A {dimension_numbers = #tpu.dot_dimension_numbers<[1], [0], [0], [1], [0, 0, 1, 1], [], []>, transpose_lhs_hint = false} : vector<5000x128xf32>, vector<128x128xf32>, vector<5000x128xf32> -> vector<5000x128xf32>
    %get3A_19 = arith.constant 0 : index
    %get3A_20 = vector.load %arg4[%get3A_19] : memref<128xf32, #tpu.memory_space<vmem>>, vector<128xf32>
    %broadcast_in_dim3A_21 = vector.shape_cast %get3A_20 : vector<128xf32> to vector<1x128xf32>
    %add3A_22 = vector.broadcast %broadcast_in_dim3A_21 : vector<1x128xf32> to vector<5000x128xf32>
    %add3A_23 = arith.addf %dot_general3A_18, %add3A_22 : vector<5000x128xf32>
    %get3A_24 = arith.constant 0 : index
    %get3A_25 = arith.constant 0 : index
    %get3A_26 = vector.load %arg5[%get3A_24, %get3A_25] : memref<128x128xf32, #tpu.memory_space<vmem>>, vector<128x128xf32>
    %dot_general3A_27 = arith.constant dense<0.000000e+00> : vector<5000x128xf32>
    %dot_general3A_28 = tpu.matmul %get3A_14, %get3A_26, %dot_general3A_27 {dimension_numbers = #tpu.dot_dimension_numbers<[1], [0], [0], [1], [0, 0, 1, 1], [], []>, transpose_lhs_hint = false} : vector<5000x128xf32>, vector<128x128xf32>, vector<5000x128xf32> -> vector<5000x128xf32>
    %add3A_29 = arith.addf %add3A_23, %dot_general3A_28 : vector<5000x128xf32>
    %max3A_30 = arith.constant 0.000000e+00 : f32
    %max3A_31 = vector.broadcast %max3A_30 : f32 to vector<5000x128xf32>
    %max3A_32 = arith.maximumf %add3A_29, %max3A_31 : vector<5000x128xf32>
    %reduce_sum3A_33 = arith.constant dense<0.000000e+00> : vector<128xf32>
    %reduce_sum3A_34 = vector.multi_reduction <add>, %max3A_32, %reduce_sum3A_33 [0] : vector<5000x128xf32> to vector<128xf32>
    %div3A_35 = arith.constant 5.000000e+03 : f32
    %div3A_36 = vector.broadcast %div3A_35 : f32 to vector<128xf32>
    %div3A_37 = arith.divf %reduce_sum3A_34, %div3A_36 : vector<128xf32>
    %broadcast_in_dim3A_38 = vector.shape_cast %div3A_37 : vector<128xf32> to vector<1x128xf32>
    %sub3A = vector.broadcast %broadcast_in_dim3A_38 : vector<1x128xf32> to vector<5000x128xf32>
    %sub3A_39 = arith.subf %max3A_32, %sub3A : vector<5000x128xf32>
    %integer_pow3A = arith.mulf %sub3A_39, %sub3A_39 : vector<5000x128xf32>
    %reduce_sum3A_40 = arith.constant dense<0.000000e+00> : vector<128xf32>
    %reduce_sum3A_41 = vector.multi_reduction <add>, %integer_pow3A, %reduce_sum3A_40 [0] : vector<5000x128xf32> to vector<128xf32>
    %div3A_42 = arith.constant 5.000000e+03 : f32
    %div3A_43 = vector.broadcast %div3A_42 : f32 to vector<128xf32>
    %div3A_44 = arith.divf %reduce_sum3A_41, %div3A_43 : vector<128xf32>
    %broadcast_in_dim3A_45 = vector.shape_cast %div3A_37 : vector<128xf32> to vector<1x128xf32>
    %sub3A_46 = vector.broadcast %broadcast_in_dim3A_45 : vector<1x128xf32> to vector<5000x128xf32>
    %sub3A_47 = arith.subf %max3A_32, %sub3A_46 : vector<5000x128xf32>
    %add3A_48 = arith.constant 9.99999974E-6 : f32
    %add3A_49 = vector.broadcast %add3A_48 : f32 to vector<128xf32>
    %add3A_50 = arith.addf %div3A_44, %add3A_49 : vector<128xf32>
    %sqrt3A = math.sqrt %add3A_50 : vector<128xf32>
    %broadcast_in_dim3A_51 = vector.shape_cast %sqrt3A : vector<128xf32> to vector<1x128xf32>
    %div3A_52 = vector.broadcast %broadcast_in_dim3A_51 : vector<1x128xf32> to vector<5000x128xf32>
    %div3A_53 = arith.divf %sub3A_47, %div3A_52 : vector<5000x128xf32>
    %get3A_54 = arith.constant 0 : index
    %get3A_55 = vector.load %arg6[%get3A_54] : memref<128xf32, #tpu.memory_space<vmem>>, vector<128xf32>
    %broadcast_in_dim3A_56 = vector.shape_cast %get3A_55 : vector<128xf32> to vector<1x128xf32>
    %mul3A = vector.broadcast %broadcast_in_dim3A_56 : vector<1x128xf32> to vector<5000x128xf32>
    %mul3A_57 = arith.mulf %div3A_53, %mul3A : vector<5000x128xf32>
    %get3A_58 = arith.constant 0 : index
    %get3A_59 = vector.load %arg7[%get3A_58] : memref<128xf32, #tpu.memory_space<vmem>>, vector<128xf32>
    %broadcast_in_dim3A_60 = vector.shape_cast %get3A_59 : vector<128xf32> to vector<1x128xf32>
    %add3A_61 = vector.broadcast %broadcast_in_dim3A_60 : vector<1x128xf32> to vector<5000x128xf32>
    %add3A_62 = arith.addf %mul3A_57, %add3A_61 : vector<5000x128xf32>
    %swap3A = arith.constant 0 : index
    %swap3A_63 = arith.constant 0 : index
    %swap3A_64 = vector.load %arg8[%swap3A, %swap3A_63] : memref<5000x128xf32, #tpu.memory_space<vmem>>, vector<5000x128xf32>
    tpu.vector_store %arg8[%swap3A, %swap3A_63], %add3A_62 {strides = array<i32>} : memref<5000x128xf32, #tpu.memory_space<vmem>>, vector<5000x128xf32>,
    return
  }
}

module attributes {stable_mosaic.version = 14 : i64} {
  func.func @body(%arg0: memref<4096x128xf32, #tpu.memory_space<vmem>>, %arg1: memref<32x2048xf32, #tpu.memory_space<vmem>>, %arg2: memref<5000x128xf32, #tpu.memory_space<vmem>>, %arg3: memref<128x128xf32, #tpu.memory_space<vmem>>, %arg4: memref<128xf32, #tpu.memory_space<vmem>>, %arg5: memref<128x128xf32, #tpu.memory_space<vmem>>, %arg6: memref<128xf32, #tpu.memory_space<vmem>>, %arg7: memref<128xf32, #tpu.memory_space<vmem>>, %arg8: memref<2000x128xf32, #tpu.memory_space<vmem>>) attributes {dimension_semantics = [], scalar_prefetch = 0 : i64, scratch_operands = 0 : i64, tpu.core_type = #tpu.core_type<tc>} {
    %get3A = arith.constant 0 : index
    %get3A_0 = arith.constant 0 : index
    %get3A_1 = vector.load %arg0[%get3A, %get3A_0] : memref<4096x128xf32, #tpu.memory_space<vmem>>, vector<2000x128xf32>
    %get3A_2 = arith.constant 2048 : index
    %get3A_3 = arith.constant 0 : index
    %get3A_4 = vector.load %arg0[%get3A_2, %get3A_3] : memref<4096x128xf32, #tpu.memory_space<vmem>>, vector<2000x128xf32>
    %add3A = arith.addf %get3A_1, %get3A_4 : vector<2000x128xf32>
    %get3A_5 = arith.constant 0 : index
    %get3A_6 = arith.constant 0 : index
    %get3A_7 = vector.load %arg1[%get3A_5, %get3A_6] : memref<32x2048xf32, #tpu.memory_space<vmem>>, vector<32x2000xf32>
    %reduce_sum3A = arith.constant dense<0.000000e+00> : vector<2000xf32>
    %reduce_sum3A_8 = vector.multi_reduction <add>, %get3A_7, %reduce_sum3A [0] : vector<32x2000xf32> to vector<2000xf32>
    %max3A = arith.constant 1.000000e+00 : f32
    %max3A_9 = vector.broadcast %max3A : f32 to vector<2000xf32>
    %max3A_10 = arith.maximumf %reduce_sum3A_8, %max3A_9 : vector<2000xf32>
    %broadcast_in_dim3A = vector.shape_cast %max3A_10 : vector<2000xf32> to vector<2000x1xf32>
    %div3A = vector.broadcast %broadcast_in_dim3A : vector<2000x1xf32> to vector<2000x128xf32>
    %div3A_11 = arith.divf %add3A, %div3A : vector<2000x128xf32>
    %get3A_12 = arith.constant 0 : index
    %get3A_13 = arith.constant 0 : index
    %get3A_14 = vector.load %arg2[%get3A_12, %get3A_13] : memref<5000x128xf32, #tpu.memory_space<vmem>>, vector<2000x128xf32>
    %get3A_15 = arith.constant 0 : index
    %get3A_16 = arith.constant 0 : index
    %get3A_17 = vector.load %arg3[%get3A_15, %get3A_16] : memref<128x128xf32, #tpu.memory_space<vmem>>, vector<128x128xf32>
    %dot_general3A = arith.constant dense<0.000000e+00> : vector<2000x128xf32>
    %dot_general3A_18 = tpu.matmul %div3A_11, %get3A_17, %dot_general3A {dimension_numbers = #tpu.dot_dimension_numbers<[1], [0], [0], [1], [0, 0, 1, 1], [], []>, transpose_lhs_hint = false} : vector<2000x128xf32>, vector<128x128xf32>, vector<2000x128xf32> -> vector<2000x128xf32>
    %get3A_19 = arith.constant 0 : index
    %get3A_20 = vector.load %arg4[%get3A_19] : memref<128xf32, #tpu.memory_space<vmem>>, vector<128xf32>
    %broadcast_in_dim3A_21 = vector.shape_cast %get3A_20 : vector<128xf32> to vector<1x128xf32>
    %add3A_22 = vector.broadcast %broadcast_in_dim3A_21 : vector<1x128xf32> to vector<2000x128xf32>
    %add3A_23 = arith.addf %dot_general3A_18, %add3A_22 : vector<2000x128xf32>
    %get3A_24 = arith.constant 0 : index
    %get3A_25 = arith.constant 0 : index
    %get3A_26 = vector.load %arg5[%get3A_24, %get3A_25] : memref<128x128xf32, #tpu.memory_space<vmem>>, vector<128x128xf32>
    %dot_general3A_27 = arith.constant dense<0.000000e+00> : vector<2000x128xf32>
    %dot_general3A_28 = tpu.matmul %get3A_14, %get3A_26, %dot_general3A_27 {dimension_numbers = #tpu.dot_dimension_numbers<[1], [0], [0], [1], [0, 0, 1, 1], [], []>, transpose_lhs_hint = false} : vector<2000x128xf32>, vector<128x128xf32>, vector<2000x128xf32> -> vector<2000x128xf32>
    %add3A_29 = arith.addf %add3A_23, %dot_general3A_28 : vector<2000x128xf32>
    %max3A_30 = arith.constant 0.000000e+00 : f32
    %max3A_31 = vector.broadcast %max3A_30 : f32 to vector<2000x128xf32>
    %max3A_32 = arith.maximumf %add3A_29, %max3A_31 : vector<2000x128xf32>
    %reduce_sum3A_33 = arith.constant dense<0.000000e+00> : vector<128xf32>
    %reduce_sum3A_34 = vector.multi_reduction <add>, %max3A_32, %reduce_sum3A_33 [0] : vector<2000x128xf32> to vector<128xf32>
    %div3A_35 = arith.constant 2.000000e+03 : f32
    %div3A_36 = vector.broadcast %div3A_35 : f32 to vector<128xf32>
    %div3A_37 = arith.divf %reduce_sum3A_34, %div3A_36 : vector<128xf32>
    %broadcast_in_dim3A_38 = vector.shape_cast %div3A_37 : vector<128xf32> to vector<1x128xf32>
    %sub3A = vector.broadcast %broadcast_in_dim3A_38 : vector<1x128xf32> to vector<2000x128xf32>
    %sub3A_39 = arith.subf %max3A_32, %sub3A : vector<2000x128xf32>
    %integer_pow3A = arith.mulf %sub3A_39, %sub3A_39 : vector<2000x128xf32>
    %reduce_sum3A_40 = arith.constant dense<0.000000e+00> : vector<128xf32>
    %reduce_sum3A_41 = vector.multi_reduction <add>, %integer_pow3A, %reduce_sum3A_40 [0] : vector<2000x128xf32> to vector<128xf32>
    %div3A_42 = arith.constant 2.000000e+03 : f32
    %div3A_43 = vector.broadcast %div3A_42 : f32 to vector<128xf32>
    %div3A_44 = arith.divf %reduce_sum3A_41, %div3A_43 : vector<128xf32>
    %broadcast_in_dim3A_45 = vector.shape_cast %div3A_37 : vector<128xf32> to vector<1x128xf32>
    %sub3A_46 = vector.broadcast %broadcast_in_dim3A_45 : vector<1x128xf32> to vector<2000x128xf32>
    %sub3A_47 = arith.subf %max3A_32, %sub3A_46 : vector<2000x128xf32>
    %add3A_48 = arith.constant 9.99999974E-6 : f32
    %add3A_49 = vector.broadcast %add3A_48 : f32 to vector<128xf32>
    %add3A_50 = arith.addf %div3A_44, %add3A_49 : vector<128xf32>
    %sqrt3A = math.sqrt %add3A_50 : vector<128xf32>
    %broadcast_in_dim3A_51 = vector.shape_cast %sqrt3A : vector<128xf32> to vector<1x128xf32>
    %div3A_52 = vector.broadcast %broadcast_in_dim3A_51 : vector<1x128xf32> to vector<2000x128xf32>
    %div3A_53 = arith.divf %sub3A_47, %div3A_52 : vector<2000x128xf32>
    %get3A_54 = arith.constant 0 : index
    %get3A_55 = vector.load %arg6[%get3A_54] : memref<128xf32, #tpu.memory_space<vmem>>, vector<128xf32>
    %broadcast_in_dim3A_56 = vector.shape_cast %get3A_55 : vector<128xf32> to vector<1x128xf32>
    %mul3A = vector.broadcast %broadcast_in_dim3A_56 : vector<1x128xf32> to vector<2000x128xf32>
    %mul3A_57 = arith.mulf %div3A_53, %mul3A : vector<2000x128xf32>
    %get3A_58 = arith.constant 0 : index
    %get3A_59 = vector.load %arg7[%get3A_58] : memref<128xf32, #tpu.memory_space<vmem>>, vector<128xf32>
    %broadcast_in_dim3A_60 = vector.shape_cast %get3A_59 : vector<128xf32> to vector<1x128xf32>
    %add3A_61 = vector.broadcast %broadcast_in_dim3A_60 : vector<1x128xf32> to vector<2000x128xf32>
    %add3A_62 = arith.addf %mul3A_57, %add3A_61 : vector<2000x128xf32>
    %reduce_max3A = arith.constant dense<0xFF800000> : vector<2000xf32>
    %reduce_max3A_63 = vector.multi_reduction <maximumf>, %add3A_62, %reduce_max3A [1] : vector<2000x128xf32> to vector<2000xf32>
    %broadcast_in_dim3A_64 = vector.shape_cast %reduce_max3A_63 : vector<2000xf32> to vector<2000x1xf32>
    %sub3A_65 = vector.broadcast %broadcast_in_dim3A_64 : vector<2000x1xf32> to vector<2000x128xf32>
    %sub3A_66 = arith.subf %add3A_62, %sub3A_65 : vector<2000x128xf32>
    %exp3A = math.exp %sub3A_66 : vector<2000x128xf32>
    %reduce_sum3A_67 = arith.constant dense<0.000000e+00> : vector<2000xf32>
    %reduce_sum3A_68 = vector.multi_reduction <add>, %exp3A, %reduce_sum3A_67 [1] : vector<2000x128xf32> to vector<2000xf32>
    %broadcast_in_dim3A_69 = vector.shape_cast %reduce_sum3A_68 : vector<2000xf32> to vector<2000x1xf32>
    %log3A = math.log %broadcast_in_dim3A_69 : vector<2000x1xf32>
    %sub3A_70 = vector.broadcast %log3A : vector<2000x1xf32> to vector<2000x128xf32>
    %sub3A_71 = arith.subf %sub3A_66, %sub3A_70 : vector<2000x128xf32>
    %swap3A = arith.constant 0 : index
    %swap3A_72 = arith.constant 0 : index
    %swap3A_73 = vector.load %arg8[%swap3A, %swap3A_72] : memref<2000x128xf32, #tpu.memory_space<vmem>>, vector<2000x128xf32>
    tpu.vector_store %arg8[%swap3A, %swap3A_72], %sub3A_71 {strides = array<i32>} : memref<2000x128xf32, #tpu.memory_space<vmem>>, vector<2000x128xf32>,
    return
  }
}

</mosaic_0001>

<sc_bundles>
// kernel: kernel.6.cloned.1.call-start
scs
__scs_entry_jumppad:
0x0: {  	(pc) =	sbr.rel $0x88, $3  }
0x1: {  	(tag) =	ssettag $0x0;
	lr =	simm.s32 $0x1  }
0x2: {  	[smem:$0x3F94] =	sst lr;
	_ =	strace $0xD0000000  }
0x3: {  	_ = 	snop  }
0x4: {  	_ = 	snop  }
0x5: {  	_ = 	snop  }
0x6: {  	_ = 	snop  }
0x7: {  	_ = 	snop  }
__scs_overlays_trampoline_lowered:
0x8: {  	[smem:$0x3FA3] =	sst s0  }
0x9: {  	[smem:$0x3FA4] =	sst s1  }
0xa: {  	[smem:$0x3FA5] =	sst s2  }
0xb: {  	[smem:$0x3FA6] =	sst s3  }
0xc: {  	[smem:$0x3FA7] =	sst s4  }
0xd: {  	[smem:$0x3FA8] =	sst s5  }
0xe: {  	[smem:$0x3FA9] =	sst s6  }
0xf: {  	[smem:$0x3FAA] =	sst s7  }
0x10: {  	[smem:$0x3FAB] =	sst s8  }
0x11: {  	[smem:$0x3FAC] =	sst s9;
	s0 =	simm.s32 @!p0 $0x0  }
0x12: {  	s1 =	sld [smem:$0x3F92];
	s0 =	simm.s32 @p0 $0x1  }
0x13: {  	[smem:$0x3FAD] =	sst s0;
	s0 =	simm.s32 @!p1 $0x0  }
0x14: {  	s2 =	sld [smem:$0x3F91];
	s0 =	simm.s32 @p1 $0x1  }
0x15: {  	[smem:$0x3FAE] =	sst s0;
	s0 =	simm.s32 @!p2 $0x0  }
0x16: {  	s3 =	sld [smem:$0x3FDB];
	s0 =	simm.s32 @p2 $0x1  }
0x17: {  	s4 =	simm.s32 $0x1BF5;
	[smem:$0x3FB0] =	sst s0  }
0x18: {  	s0 =	sld [smem:$0x3F93];
	_ =	swait.ge [sflag:s4], $0x0  }
0x19: {  	s7 =	sld [smem:$0x3F94]  }
0x1a: {  	s8 =	sadd.s32 $0xFFFFE003, lr  }
0x1b: {  	s9 =	sadd.s32 $0xFFFFFEF7, lr;
	s5 =	simm.s32 $0xFFFFFFFF;
	p2 =	slt.u32 s8, $0xFFFFF086  }
0x1c: {  	p1 =	slt.u32 s9, $0xF7A;
	s5 =	simm.s32 @!p2 $0x0  }
0x1d: {  	s5 =	simm.s32 @p1 $0x1;
	p0 =	seq.s32 s7, s2  }
0x1e: {  	s7 =	smul.u32 @!p0 $0xF7A, s2;
	p2 =	seq.s32 @!p0 s5, $0x0  }
0x1f: {  	s9 =	smul.u32 $0xF7A, s1;
	s8 =	simm.s32 @!p0 $0x1BF5;
	p2 =	por !p2, p0  }
0x20: {  	[sflag:s8] =	ssyncset.s32 @!p0 $0xFFFFF086;
	s6 =	sadd.s32 @!p0 s3, s7;
	s7 =	simm.s32 @!p0 $0x108  }
0x21: {  	s3 =	sadd.s32 s3, s9;
	s6 =	sadd.s32 @!p0 $0x88, s6;
	s7 =	simm.s32 @p2 $0x1082  }
0x22: {  	[simem:s7], [sflag:s8] =	dma.local @!p0 [hbm:s6], $0xF7A  }
0x23: {  	s9 =	sor.u32 $0xD0000000, s2;
	s6 =	simm.s32 $0x108;
	_ =	swait.ge @!p0 [sflag:s8], $0x0  }
0x24: {  	s3 =	sadd.s32 $0x88, s3;
	s6 =	simm.s32 @!p1 $0x1082;
	[sflag:s4] =	ssyncset.s32 $0xFFFFF086  }
0x25: {  	[simem:s6], [sflag:s4] =	dma.local [hbm:s3], $0xF7A  }
0x26: {  	[smem:$0x3F94] =	sst s1;
	(tag) =	ssettag s2;
	_ =	strace s9  }
0x27: {  	s1 =	sld [smem:$0x3FA4]  }
0x28: {  	s2 =	sld [smem:$0x3FA5]  }
0x29: {  	s4 =	sld [smem:$0x3FA7]  }
0x2a: {  	p0 =	seq.s32 s5, $0x0;
	s5 =	sld [smem:$0x3FA8]  }
0x2b: {  	s6 =	sld [smem:$0x3FA9]  }
0x2c: {  	s7 =	sld [smem:$0x3FAA]  }
0x2d: {  	s3 =	simm.s32 $0x108;
	s8 =	sld [smem:$0x3FAB]  }
0x2e: {  	s3 =	simm.s32 @!p0 $0x1082;
	s9 =	sld [smem:$0x3FAC]  }
0x2f: {  	lr =	sadd.s32 s0, s3;
	s0 =	sld [smem:$0x3FA3]  }
0x30: {  	s3 =	sld [smem:$0x3FA6]  }
0x31: {  	[smem:$0x3FAF] =	sst s10  }
0x32: {  	s10 =	sld [smem:$0x3FAD];
	_ =	sdelay $0x3  }
0x33: {  	p0 =	seq.s32 s10, $0x1;
	s10 =	sld [smem:$0x3FAF];
	_ =	sdelay $0x3  }
0x34: {  	[smem:$0x3FAF] =	sst s10  }
0x35: {  	s10 =	sld [smem:$0x3FAE];
	_ =	sdelay $0x3  }
0x36: {  	p1 =	seq.s32 s10, $0x1;
	s10 =	sld [smem:$0x3FAF];
	_ =	sdelay $0x3  }
0x37: {  	[smem:$0x3FAF] =	sst s10  }
0x38: {  	s10 =	sld [smem:$0x3FB0]  }
0x39: {  	_ = 	snop;
	(pc) =	sbr.ind lr, $3  }
0x3a: {  	_ = 	snop  }
0x3b: {  	_ = 	snop  }
0x3c: {  	p2 =	seq.s32 s10, $0x1;
	s10 =	sld [smem:$0x3FAF]  }
0x3d: {  	_ =	shalt  }
0x3e: {  	_ =	shalt  }
0x3f: {  	_ =	shalt  }
0x40: {  	_ =	shalt  }
0x41: {  	_ =	shalt  }
0x42: {  	_ =	shalt  }
0x43: {  	_ =	shalt  }
0x44: {  	_ =	shalt  }
0x45: {  	_ =	shalt  }
0x46: {  	_ =	shalt  }
0x47: {  	_ =	shalt  }
0x48: {  	_ =	shalt  }
0x49: {  	_ =	shalt  }
0x4a: {  	_ =	shalt  }
0x4b: {  	_ =	shalt  }
0x4c: {  	_ =	shalt  }
0x4d: {  	_ =	shalt  }
0x4e: {  	_ =	shalt  }
0x4f: {  	_ =	shalt  }
0x50: {  	_ =	shalt  }
0x51: {  	_ =	shalt  }
0x52: {  	_ =	shalt  }
0x53: {  	_ =	shalt  }
0x54: {  	_ =	shalt  }
0x55: {  	_ =	shalt  }
0x56: {  	_ =	shalt  }
0x57: {  	_ =	shalt  }
0x58: {  	_ =	shalt  }
0x59: {  	_ =	shalt  }
0x5a: {  	_ =	shalt  }
0x5b: {  	_ =	shalt  }
0x5c: {  	_ =	shalt  }
0x5d: {  	_ =	shalt  }
0x5e: {  	_ =	shalt  }
0x5f: {  	_ =	shalt  }
0x60: {  	_ =	shalt  }
0x61: {  	_ =	shalt  }
0x62: {  	_ =	shalt  }
0x63: {  	_ =	shalt  }
0x64: {  	_ =	shalt  }
0x65: {  	_ =	shalt  }
0x66: {  	_ =	shalt  }
0x67: {  	_ =	shalt  }
0x68: {  	_ =	shalt  }
0x69: {  	_ =	shalt  }
0x6a: {  	_ =	shalt  }
0x6b: {  	_ =	shalt  }
0x6c: {  	_ =	shalt  }
0x6d: {  	_ =	shalt  }
0x6e: {  	_ =	shalt  }
0x6f: {  	_ =	shalt  }
0x70: {  	_ =	shalt  }
0x71: {  	_ =	shalt  }
0x72: {  	_ =	shalt  }
0x73: {  	_ =	shalt  }
0x74: {  	_ =	shalt  }
0x75: {  	_ =	shalt  }
0x76: {  	_ =	shalt  }
0x77: {  	_ =	shalt  }
0x78: {  	_ =	shalt  }
0x79: {  	_ =	shalt  }
0x7a: {  	_ =	shalt  }
0x7b: {  	_ =	shalt  }
0x7c: {  	_ =	shalt  }
0x7d: {  	_ =	shalt  }
0x7e: {  	_ =	shalt  }
0x7f: {  	_ =	shalt  }
0x80: {  	_ =	shalt  }
0x81: {  	_ =	shalt  }
0x82: {  	_ =	shalt  }
0x83: {  	_ =	shalt  }
0x84: {  	_ =	shalt  }
0x85: {  	_ =	shalt  }
0x86: {  	_ =	shalt  }
0x87: {  	_ =	shalt  }
.Lfunc_end0:
.L_simem_size_0:
called_computation_lowered:
.L_overlay_start_0:
0x88: {  	s2 =	sld [smem:$0x3FD9]  }
0x89: {  	s3 =	sld [smem:$0x3FFE];
	_ =	sdelay $0x1  }
0x8a: {  	s1 =	srdreg.scid  }
0x8b: {  	s0 =	sand.u32 $0x1, s1  }
0x8c: {  	s17 =	sshll.u32 s0, $0xA;
	s2 =	sadd.s32 s3, s2  }
0x8d: {  	s2 =	sadd.s32 s2, s17  }
0x8e: {  	[smem:$0x3FBB] =	sst s2  }
0x8f: {  	_ = 	snop  }
0x90: {  	s2 =	sld [smem:$0x3FC9];
	(tm) =	ssettm $0x1  }
0x91: {  	s18 =	sld [smem:$0x3FFB];
	_ =	sdelay $0x3  }
0x92: {  	_ =	strace s18  }
0x93: {  	s3 =	sld [smem:$0x3FFC];
	_ =	sdelay $0x3  }
0x94: {  	_ =	strace s3  }
0x95: {  	s3 =	sld [smem:$0x3FFD];
	_ =	sdelay $0x3  }
0x96: {  	_ =	strace s3  }
0x97: {  	_ =	strace $0x8FFFFFFF  }
0x98: {  	s19 =	sld [smem:$0x3FDB];
	_ =	sdelay $0x1  }
0x99: {  	s4 =	simm.s32 $_scs_section_size  }
0x9a: {  	s5 =	simm.s32 $_size__tile_overlayer_lowered;
	s6 =	simm.s32 $_tile_overlayer_lowered  }
0x9b: {  	s22 =	simm.s32 $0x1BFF;
	s21 =	sshll.u32 s6, $0x1;
	s3 =	sadd.s32 s4, s19  }
0x9c: {  	s7 =	simm.s32 $0x0;
	s20 =	sshll.u32 s5, $0x1;
	s5 =	sadd.s32 s21, s3  }
0x9d: {  	[timem:s7], [sflag:s22] =	dma.local [hbm:s5], s20  }
0x9e: {  	_ =	swait.ge [sflag:s22], s20  }
0x9f: {  	s4 =	ssub.s32 $0x0, s20;
	[sflag:s22] =	ssyncset.done $0x0  }
0xa0: {  	[sflag:s22] =	ssyncadd.s32 s4;
	_ =	sdelay $0x1  }
0xa1: {  	s23 =	simm.s32 $0x1B8B  }
0xa2: {  	_ =	swait.ge [sflag:s23], $0x1  }
0xa3: {  	[sflag:s23] =	ssyncset.done $0x0  }
0xa4: {  	s25 =	simm.s32 $0x1B8E;
	s24 =	sld [smem:$0x3FFE];
	[sflag:s23] =	ssyncadd.s32 $0xFFFFFFFF  }
0xa5: {  	s26 =	simm.s32 $execute0_lowered;
	[smem:$0x3FD2] =	sst s25  }
0xa6: {  	s5 =	sshll.u32 s26, $0x1;
	_ =	strace $0x80000046;
	[dreg:$0x1] =	wrdreg $0xFFFFFFFF  }
0xa7: {  	s28 =	simm.s32 $_size_execute0_lowered;
	s3 =	sadd.s32 s3, s5;
	[dreg:$0x0] =	wrdreg $0x0  }
0xa8: {  	s5 =	sshll.u32 s28, $0x1;
	[dreg:$0x2] =	wrdreg s3  }
0xa9: {  	[dreg:$0x3] =	wrdreg s5  }
0xaa: {  	[dreg:$0x4] =	wrdreg $0xC0  }
0xab: {  	_ =	task [dreg:s7], $0x5FFFF  }
0xac: {  	[dreg:$0x1] =	wrdreg $0xFFFFFFFF  }
0xad: {  	[dreg:$0x0] =	wrdreg $0x60  }
0xae: {  	[dreg:$0x2] =	wrdreg s2  }
0xaf: {  	[dreg:$0x3] =	wrdreg s24  }
0xb0: {  	[dreg:$0x4] =	wrdreg $0x12C000  }
0xb1: {  	[dreg:$0x5] =	wrdreg $0x9  }
0xb2: {  	_ =	task.clear_ibuf [dreg:s7], $0x6FFFF;
	_ =	strace $0x90000046  }
0xb3: {  	s29 =	simm.s32 $0x9;
	_ =	strace $0x80000048  }
0xb4: {  	_ =	swait.ge [sflag:s29], $0x1  }
0xb5: {  	[sflag:s29] =	ssyncadd.s32 $0xFFFFFFFF  }
0xb6: {  	_ =	strace $0x90000048  }
0xb7: {  	_ =	sfence  }
0xb8: {  	s30 =	sld [smem:$0x0];
	_ =	sdelay $0x2  }
0xb9: {  	s31 =	sshll.u32 s1, $0xD;
	s1 =	sshrl.u32 s1, $0x2  }
0xba: {  	s3 =	sand.u32 $0x4000, s31;
	s1 =	sadd.s32 s1, s30  }
0xbb: {  	s0 =	sor.u32 s3, s0;
	s1 =	sshll.u32 s1, $0x11  }
0xbc: {  	s0 =	sor.u32 s1, s0  }
0xbd: {  	s0 =	sadd.s32 $0x8F2B, s0  }
0xbe: {  	[sflag:s0] =	ssyncadd.remote.s32 $0x1  }
0xbf: {  	_ =	sfence.sel $0xFFFF  }
0xc0: {  	[dreg:$0x0] =	wrdreg $0xFFFFFFFF;
	(pc) =	sbr.abs _section_cstart, $3  }
0xc1: {  	[dreg:$0x1] =	wrdreg $0xFFFFFFFF  }
0xc2: {  	_ =	task.clear_ibuf [dreg:s7], $0x2FFFF;
	_ =	strace $0x9FFFFFFF  }
0xc3: {  	(tm) =	ssettm $0x7FFFFFFF  }
tec
execute0_lowered:
.L_overlay_start_1:
0x0: {  	(tag) =	ssettag $0x1  }
0x1: {  	s1 =	rddreg [dreg:$0x0]  }
0x2: {  	s2 =	srdreg.scid;
	s7 =	rddreg [dreg:$0x1]  }
0x3: {  	s0 =	stileid.u32;
	s3 =	rddreg [dreg:$0x2]  }
0x4: {  	s4 =	simm.s32 $0x0;
	s16 =	simm.s32 $0x11800;
	s17 =	simm.s32 $0x80  }
0x5: {  	s18 =	simm.s32 $0x5800;
	s19 =	simm.s32 $0x9800;
	s20 =	simm.s32 $0x1  }
0x6: {  	s21 =	simm.s32 $0xD800;
	s22 =	simm.s32 $0x2;
	s23 =	simm.s32 $0x4  }
0x7: {  	s28 =	simm.s32 $0x400;
	s29 =	simm.s32 $0x0;
	s6 =	sand.u32 $0x1, s2  }
0x8: {  	s24 =	sshll.u32 s0, $0x1;
	s9 =	smul.u32 $0x1400, s0;
	[smem:$0x7FF] =	sst s4  }
0x9: {  	s11 =	sshrl.u32 s0, $0x2;
	s26 =	smul.u32 $0x28000, s0;
	s14 =	sshll.u32 s0, $0x6  }
0xa: {  	s5 =	sor.u32 s6, s24;
	s10 =	smul.u32 $0x14000, s6;
	_ =	strace $0x80000047  }
0xb: {  	s11 =	smul.u32 $0xA000, s11;
	s6 =	ssub.s32 $0x2, s6;
	s14 =	sor.u32 $0x1C07, s14  }
0xc: {  	s24 =	simm.s32 $0x3;
	s8 =	smul.u32 $0x580, s5;
	s5 =	sshll.u32 s5, $0x7  }
0xd: {  	s12 =	sadd.s32 s9, s7;
	s30 =	sshrl.u32 s6, $0x1;
	s13 =	sand.u32 $0x380, s5  }
0xe: {  	s5 =	sadd.s32 $0x2D400, s7;
	s9 =	sadd.s32 s9, s10;
	s31 =	ssub.s32 s6, s30  }
0xf: {  	s8 =	sadd.s32 s8, s7;
	s25 =	sor.u32 s11, s13;
	s9 =	sadd.s32 s9, s7  }
0x10: {  	s11 =	sshrl.u32 s26, $0x2;
	s13 =	simm.s32 $0x2C00;
	s26 =	simm.s32 $0x6  }
0x11: {  	s10 =	sshrl.u32 s25, $0x3;
	s6 =	sadd.s32 $0x3400, s8;
	s15 =	sadd.s32 s11, s3  }
0x12: {  	s9 =	sadd.s32 $0x2D800, s9;
	s11 =	smax.u32 s31, $0x1;
	s25 =	simm.s32 $0x5  }
0x13: {  	s10 =	sadd.s32 s10, s7;
	s7 =	sadd.s32 $0xE400, s8;
	s8 =	sadd.s32 $0x19400, s12  }
0x14: {  	v0 =	vimm.f32 $1.000000000e+00;
	s12 =	simm.s32 $0x7;
	s15 =	sshrl.u32 s15, $0x3;
	s10 =	sadd.s32 $0x55800, s10  }
.LBB2_1:
0x15: {  	[tilespmem:s4], [sflag:$0x7] =	stream.linear.gather [hbm4b:s6+s4], $0x2880, $0x38;
	[tilespmem:$0x1CC00] =	vst v63  }
0x16: {  	_ =	swait.ge [sflag:s12], $0x2880  }
0x17: {  	[sflag:s12] =	ssyncset.done $0x0  }
0x18: {  	[sflag:s12] =	ssyncadd.s32 $0xFFFFD780  }
0x19: {  	[tilespmem:s13], [sflag:$0x7] =	stream.linear.gather [hbm4b:s7+s4], $0x2880, $0x38;
	[tilespmem:$0x1CC00] =	vst v63  }
0x1a: {  	_ =	swait.ge [sflag:s12], $0x2880  }
0x1b: {  	[sflag:s12] =	ssyncset.done $0x0  }
0x1c: {  	[sflag:s12] =	ssyncadd.s32 $0xFFFFD780  }
0x1d: {  	[spmem:s15], [sflag:s14] =	dma.local [hbm:s8], $0x1400  }
0x1e: {  	_ =	swait.ge [sflag:s12], $0x1400  }
0x1f: {  	[sflag:s12] =	ssyncset.done $0x0  }
0x20: {  	[sflag:s12] =	ssyncadd.s32 $0xFFFFEC00  }
0x21: {  	[tilespmem:s16], [sflag:$0x7] =	stream.linear.gather [hbm4b:s5+s4], $0x1400, $0x38;
	[tilespmem:$0x1CC00] =	vst v63  }
0x22: {  	_ =	swait.ge [sflag:s12], $0x1400  }
0x23: {  	[sflag:s12] =	ssyncset.done $0x0  }
0x24: {  	[sflag:s12] =	ssyncadd.s32 $0xFFFFEC00  }
0x25: {  	[bflag:$0x0] =	sbarrier.arrive $0xFFFF  }
0x26: {  	[tilespmem:s18], [sflag:$0x1] =	stream.indirect.gather [hbm4b:s1+s17], $0x80, s4, s17, $0xb8;
	[tilespmem:$0x1CC00] =	vst v63  }
0x27: {  	s30 =	simm.s32 $0x800  }
0x28: {  	[tilespmem:s19], [sflag:$0x2] =	stream.indirect.gather [hbm4b:s1+s17], $0x80, s17, s17, $0xb8;
	[tilespmem:$0x1CC00] =	vst v63  }
.LBB2_2:
0x29: {  	_ =	swait.ge [sflag:s20], $0x4000  }
0x2a: {  	s31 =	sshra.s32 s30, $0x2;
	[sflag:s20] =	ssyncset.done $0x0  }
0x2b: {  	p0 =	seq.s32 s30, $0x800;
	s2 =	sadd.s32 $0x2A00, s31;
	[sflag:s20] =	ssyncadd.s32 $0xFFFFC000  }
0x2c: {  	[spmem:s3] =	stream.indirect.scatter.add.f32 [tilespmem:s18], [sflag:$0x4], $0x80, s2, s17, $0xb8;
	[tilespmem:$0x1CC00] =	vst v63  }
0x2d: {  	s2 =	simm.s32 @!p0 $0x6  }
0x2e: {  	_ =	swait.ge @!p0 [sflag:s2], $0x4000  }
0x2f: {  	[sflag:s2] =	ssyncset.done @!p0 $0x0  }
0x30: {  	[sflag:s2] =	ssyncadd.s32 @!p0 $0xFFFFC000;
	s2 =	sadd.s32 $0xFFFFFF00, s31  }
0x31: {  	[tilespmem:s21], [sflag:$0x3] =	stream.indirect.gather [hbm4b:s1+s17], $0x80, s2, s17, $0xb8;
	[tilespmem:$0x1CC00] =	vst v63  }
0x32: {  	v1 =	vld [tilespmem:s31+$0x2A00];
	_ =	sdelay $0x7  }
0x33: {  	[tilespmem:v1+s16+$0x0] =	vst.idx.add.f32.msk $0xffff, v0  }
0x34: {  	v1 =	vld [tilespmem:s31+$0x2A10];
	_ =	sdelay $0x7  }
0x35: {  	[tilespmem:v1+s16+$0x0] =	vst.idx.add.f32.msk $0xffff, v0  }
0x36: {  	v1 =	vld [tilespmem:s31+$0x2A20];
	_ =	sdelay $0x7  }
0x37: {  	[tilespmem:v1+s16+$0x0] =	vst.idx.add.f32.msk $0xffff, v0  }
0x38: {  	v1 =	vld [tilespmem:s31+$0x2A30];
	_ =	sdelay $0x7  }
0x39: {  	[tilespmem:v1+s16+$0x0] =	vst.idx.add.f32.msk $0xffff, v0  }
0x3a: {  	v1 =	vld [tilespmem:s31+$0x2A40];
	_ =	sdelay $0x7  }
0x3b: {  	[tilespmem:v1+s16+$0x0] =	vst.idx.add.f32.msk $0xffff, v0  }
0x3c: {  	v1 =	vld [tilespmem:s31+$0x2A50];
	_ =	sdelay $0x7  }
0x3d: {  	[tilespmem:v1+s16+$0x0] =	vst.idx.add.f32.msk $0xffff, v0  }
0x3e: {  	v1 =	vld [tilespmem:s31+$0x2A60];
	_ =	sdelay $0x7  }
0x3f: {  	[tilespmem:v1+s16+$0x0] =	vst.idx.add.f32.msk $0xffff, v0  }
0x40: {  	v1 =	vld [tilespmem:s31+$0x2A70];
	_ =	sdelay $0x7  }
0x41: {  	[tilespmem:v1+s16+$0x0] =	vst.idx.add.f32.msk $0xffff, v0  }
0x42: {  	_ =	swait.ge [sflag:s22], $0x4000  }
0x43: {  	[sflag:s22] =	ssyncset.done $0x0  }
0x44: {  	s2 =	sadd.s32 $0x2A80, s31;
	[sflag:s22] =	ssyncadd.s32 $0xFFFFC000  }
0x45: {  	[spmem:s3] =	stream.indirect.scatter.add.f32 [tilespmem:s19], [sflag:$0x5], $0x80, s2, s17, $0xb8;
	[tilespmem:$0x1CC00] =	vst v63  }
0x46: {  	p0 =	seq.s32 s30, $0xA400;
	s2 =	sadd.s32 $0xFFFFFE00, s30;
	_ =	swait.ge [sflag:s23], $0x4000  }
0x47: {  	s2 =	simm.s32 @p0 $0x0;
	[sflag:s23] =	ssyncset.done $0x0  }
0x48: {  	s2 =	sshra.s32 s2, $0x2;
	[sflag:s23] =	ssyncadd.s32 $0xFFFFC000  }
0x49: {  	[tilespmem:s18], [sflag:$0x1] =	stream.indirect.gather [hbm4b:s1+s17], $0x80, s2, s17, $0xb8;
	[tilespmem:$0x1CC00] =	vst v63  }
0x4a: {  	v1 =	vld [tilespmem:s31+$0x2A80];
	_ =	sdelay $0x7  }
0x4b: {  	[tilespmem:v1+s16+$0x0] =	vst.idx.add.f32.msk $0xffff, v0  }
0x4c: {  	v1 =	vld [tilespmem:s31+$0x2A90];
	_ =	sdelay $0x7  }
0x4d: {  	[tilespmem:v1+s16+$0x0] =	vst.idx.add.f32.msk $0xffff, v0  }
0x4e: {  	v1 =	vld [tilespmem:s31+$0x2AA0];
	_ =	sdelay $0x7  }
0x4f: {  	[tilespmem:v1+s16+$0x0] =	vst.idx.add.f32.msk $0xffff, v0  }
0x50: {  	v1 =	vld [tilespmem:s31+$0x2AB0];
	_ =	sdelay $0x7  }
0x51: {  	[tilespmem:v1+s16+$0x0] =	vst.idx.add.f32.msk $0xffff, v0  }
0x52: {  	v1 =	vld [tilespmem:s31+$0x2AC0];
	_ =	sdelay $0x7  }
0x53: {  	[tilespmem:v1+s16+$0x0] =	vst.idx.add.f32.msk $0xffff, v0  }
0x54: {  	v1 =	vld [tilespmem:s31+$0x2AD0];
	_ =	sdelay $0x7  }
0x55: {  	[tilespmem:v1+s16+$0x0] =	vst.idx.add.f32.msk $0xffff, v0  }
0x56: {  	v1 =	vld [tilespmem:s31+$0x2AE0];
	_ =	sdelay $0x7  }
0x57: {  	[tilespmem:v1+s16+$0x0] =	vst.idx.add.f32.msk $0xffff, v0  }
0x58: {  	v1 =	vld [tilespmem:s31+$0x2AF0];
	_ =	sdelay $0x7  }
0x59: {  	[tilespmem:v1+s16+$0x0] =	vst.idx.add.f32.msk $0xffff, v0  }
0x5a: {  	_ =	swait.ge [sflag:s24], $0x4000  }
0x5b: {  	[sflag:s24] =	ssyncset.done $0x0  }
0x5c: {  	s2 =	sadd.s32 $0x2B00, s31;
	[sflag:s24] =	ssyncadd.s32 $0xFFFFC000  }
0x5d: {  	[spmem:s3] =	stream.indirect.scatter.add.f32 [tilespmem:s21], [sflag:$0x6], $0x80, s2, s17, $0xb8;
	[tilespmem:$0x1CC00] =	vst v63  }
0x5e: {  	s2 =	smov.u32 s30;
	_ =	swait.ge [sflag:s25], $0x4000  }
0x5f: {  	s2 =	simm.s32 @p0 $0x200;
	[sflag:s25] =	ssyncset.done $0x0  }
0x60: {  	s2 =	sshra.s32 s2, $0x2;
	[sflag:s25] =	ssyncadd.s32 $0xFFFFC000  }
0x61: {  	[tilespmem:s19], [sflag:$0x2] =	stream.indirect.gather [hbm4b:s1+s17], $0x80, s2, s17, $0xb8;
	[tilespmem:$0x1CC00] =	vst v63  }
0x62: {  	v1 =	vld [tilespmem:s31+$0x2B00];
	_ =	sdelay $0x7  }
0x63: {  	[tilespmem:v1+s16+$0x0] =	vst.idx.add.f32.msk $0xffff, v0  }
0x64: {  	v1 =	vld [tilespmem:s31+$0x2B10];
	_ =	sdelay $0x7  }
0x65: {  	[tilespmem:v1+s16+$0x0] =	vst.idx.add.f32.msk $0xffff, v0  }
0x66: {  	v1 =	vld [tilespmem:s31+$0x2B20];
	_ =	sdelay $0x7  }
0x67: {  	[tilespmem:v1+s16+$0x0] =	vst.idx.add.f32.msk $0xffff, v0  }
0x68: {  	v1 =	vld [tilespmem:s31+$0x2B30];
	_ =	sdelay $0x7  }
0x69: {  	[tilespmem:v1+s16+$0x0] =	vst.idx.add.f32.msk $0xffff, v0  }
0x6a: {  	v1 =	vld [tilespmem:s31+$0x2B40];
	_ =	sdelay $0x7  }
0x6b: {  	[tilespmem:v1+s16+$0x0] =	vst.idx.add.f32.msk $0xffff, v0  }
0x6c: {  	v1 =	vld [tilespmem:s31+$0x2B50];
	_ =	sdelay $0x7  }
0x6d: {  	[tilespmem:v1+s16+$0x0] =	vst.idx.add.f32.msk $0xffff, v0  }
0x6e: {  	v1 =	vld [tilespmem:s31+$0x2B60];
	_ =	sdelay $0x7  }
0x6f: {  	[tilespmem:v1+s16+$0x0] =	vst.idx.add.f32.msk $0xffff, v0  }
0x70: {  	v1 =	vld [tilespmem:s31+$0x2B70];
	_ =	sdelay $0x1  }
0x71: {  	s30 =	sadd.s32 $0x600, s30  }
0x72: {  	p0 =	sne.s32 s30, $0xAA00  }
.Ltmp0:
0x73: {  	_ = 	snop;
	(pc) =	sbr.rel @p0 .LBB2_2-.Ltmp0, $2  }
0x74: {  	_ =	sdelay $0x2  }
0x75: {  	[tilespmem:v1+s16+$0x0] =	vst.idx.add.f32.msk $0xffff, v0  }
0x76: {  	_ =	swait.ge [sflag:s26], $0x4000  }
0x77: {  	[sflag:s26] =	ssyncset.done $0x0  }
0x78: {  	[sflag:s26] =	ssyncadd.s32 $0xFFFFC000  }
0x79: {  	_ =	swait.ge [sflag:s20], $0x4000  }
0x7a: {  	[sflag:s20] =	ssyncset.done $0x0  }
0x7b: {  	[sflag:s20] =	ssyncadd.s32 $0xFFFFC000  }
0x7c: {  	_ =	swait.ge [sflag:s22], $0x4000  }
0x7d: {  	[sflag:s22] =	ssyncset.done $0x0  }
0x7e: {  	[sflag:s22] =	ssyncadd.s32 $0xFFFFC000  }
0x7f: {  	[bflag:$0x0] =	sbarrier.arrive $0xFFFF  }
0x80: {  	[hbm:s9], [sflag:s14] =	dma.local [spmem:s15], $0x1400  }
0x81: {  	s29 =	sadd.s32 $0x1, s29;
	_ =	swait.ge [sflag:s12], $0x1400  }
0x82: {  	p0 =	sne.s32 s29, s11;
	[sflag:s12] =	ssyncset.done $0x0  }
.Ltmp1:
0x83: {  	[sflag:s12] =	ssyncadd.s32 $0xFFFFEC00;
	(pc) =	sbr.rel @p0 .LBB2_1-.Ltmp1, $4  }
0x84: {  	[hbm4b:s10+s17] =	stream.strided.scatter [tilespmem:s16], [sflag:$0x7], $0x1400, s28, s17, $0x38;
	[tilespmem:$0x1CC00] =	vst v63  }
0x85: {  	_ =	swait.ge [sflag:s12], $0x1400  }
0x86: {  	[sflag:s12] =	ssyncset.done $0x0  }
0x87: {  	[sflag:s12] =	ssyncadd.s32 $0xFFFFEC00  }
0x88: {  	_ =	sfence.sel $0x180000  }
0x89: {  	[bflag:$0x0] =	sbarrier.arrive $0xFFFF  }
0x8a: {  	_ =	strace $0x90000047  }
0x8b: {  	[bflag:$0x2] =	sbarrier.arrive $0xFFFF  }
0x8c: {  	p0 =	sne.s32 s0, $0x0;
	s0 =	rddreg [dreg:$0x3]  }
0x8d: {  	s0 =	sadd.s32 @!p0 $0x100000, s0  }
0x8e: {  	[sflag:s0] =	ssyncadd.tile.s32 @!p0 $0x1;
	_ =	shalt  }
.Lfunc_end2:
_tile_overlayer_lowered:
.L_overlay_start_2:
0x8f: {  	(tag) =	ssettag $0x2  }
0x90: {  	s0 =	rddreg [dreg:$0x0];
	s2 =	stileid.u32  }
0x91: {  	s1 =	rddreg [dreg:$0x1];
	p0 =	sne.s32 s2, $0x0  }
0x92: {  	s3 =	rddreg [dreg:$0x2];
	[bflag:$0x3] =	sbarrier.arrive $0xFFFF;
	s2 =	simm.s32 @!p0 $0x1C07  }
0x93: {  	[timem:s3], [sflag:s2] =	dma.local @!p0 [hbm:s0], s1  }
0x94: {  	s0 =	simm.s32 @!p0 $0x7  }
0x95: {  	_ =	swait.ge @!p0 [sflag:s0], s1  }
0x96: {  	s1 =	ssub.s32 @!p0 $0x0, s1;
	[sflag:s0] =	ssyncset.done @!p0 $0x0  }
0x97: {  	[sflag:s0] =	ssyncadd.s32 @!p0 s1  }
0x98: {  	[bflag:$0x3] =	sbarrier.arrive $0xFFFF  }
0x99: {  	_ =	shalt  }

// kernel: kernel.9.cloned.1.call-start
scs
__scs_entry_jumppad:
0x0: {  	(pc) =	sbr.rel $0x88, $3  }
0x1: {  	(tag) =	ssettag $0x0;
	lr =	simm.s32 $0x1  }
0x2: {  	[smem:$0x3F94] =	sst lr;
	_ =	strace $0xD0000000  }
0x3: {  	_ = 	snop  }
0x4: {  	_ = 	snop  }
0x5: {  	_ = 	snop  }
0x6: {  	_ = 	snop  }
0x7: {  	_ = 	snop  }
__scs_overlays_trampoline_lowered:
0x8: {  	[smem:$0x3FA3] =	sst s0  }
0x9: {  	[smem:$0x3FA4] =	sst s1  }
0xa: {  	[smem:$0x3FA5] =	sst s2  }
0xb: {  	[smem:$0x3FA6] =	sst s3  }
0xc: {  	[smem:$0x3FA7] =	sst s4  }
0xd: {  	[smem:$0x3FA8] =	sst s5  }
0xe: {  	[smem:$0x3FA9] =	sst s6  }
0xf: {  	[smem:$0x3FAA] =	sst s7  }
0x10: {  	[smem:$0x3FAB] =	sst s8  }
0x11: {  	[smem:$0x3FAC] =	sst s9;
	s0 =	simm.s32 @!p0 $0x0  }
0x12: {  	s1 =	sld [smem:$0x3F92];
	s0 =	simm.s32 @p0 $0x1  }
0x13: {  	[smem:$0x3FAD] =	sst s0;
	s0 =	simm.s32 @!p1 $0x0  }
0x14: {  	s2 =	sld [smem:$0x3F91];
	s0 =	simm.s32 @p1 $0x1  }
0x15: {  	[smem:$0x3FAE] =	sst s0;
	s0 =	simm.s32 @!p2 $0x0  }
0x16: {  	s3 =	sld [smem:$0x3FDB];
	s0 =	simm.s32 @p2 $0x1  }
0x17: {  	s4 =	simm.s32 $0x1BF5;
	[smem:$0x3FB0] =	sst s0  }
0x18: {  	s0 =	sld [smem:$0x3F93];
	_ =	swait.ge [sflag:s4], $0x0  }
0x19: {  	s7 =	sld [smem:$0x3F94]  }
0x1a: {  	s8 =	sadd.s32 $0xFFFFE003, lr  }
0x1b: {  	s9 =	sadd.s32 $0xFFFFFEF7, lr;
	s5 =	simm.s32 $0xFFFFFFFF;
	p2 =	slt.u32 s8, $0xFFFFF086  }
0x1c: {  	p1 =	slt.u32 s9, $0xF7A;
	s5 =	simm.s32 @!p2 $0x0  }
0x1d: {  	s5 =	simm.s32 @p1 $0x1;
	p0 =	seq.s32 s7, s2  }
0x1e: {  	s7 =	smul.u32 @!p0 $0xF7A, s2;
	p2 =	seq.s32 @!p0 s5, $0x0  }
0x1f: {  	s9 =	smul.u32 $0xF7A, s1;
	s8 =	simm.s32 @!p0 $0x1BF5;
	p2 =	por !p2, p0  }
0x20: {  	[sflag:s8] =	ssyncset.s32 @!p0 $0xFFFFF086;
	s6 =	sadd.s32 @!p0 s3, s7;
	s7 =	simm.s32 @!p0 $0x108  }
0x21: {  	s3 =	sadd.s32 s3, s9;
	s6 =	sadd.s32 @!p0 $0x88, s6;
	s7 =	simm.s32 @p2 $0x1082  }
0x22: {  	[simem:s7], [sflag:s8] =	dma.local @!p0 [hbm:s6], $0xF7A  }
0x23: {  	s9 =	sor.u32 $0xD0000000, s2;
	s6 =	simm.s32 $0x108;
	_ =	swait.ge @!p0 [sflag:s8], $0x0  }
0x24: {  	s3 =	sadd.s32 $0x88, s3;
	s6 =	simm.s32 @!p1 $0x1082;
	[sflag:s4] =	ssyncset.s32 $0xFFFFF086  }
0x25: {  	[simem:s6], [sflag:s4] =	dma.local [hbm:s3], $0xF7A  }
0x26: {  	[smem:$0x3F94] =	sst s1;
	(tag) =	ssettag s2;
	_ =	strace s9  }
0x27: {  	s1 =	sld [smem:$0x3FA4]  }
0x28: {  	s2 =	sld [smem:$0x3FA5]  }
0x29: {  	s4 =	sld [smem:$0x3FA7]  }
0x2a: {  	p0 =	seq.s32 s5, $0x0;
	s5 =	sld [smem:$0x3FA8]  }
0x2b: {  	s6 =	sld [smem:$0x3FA9]  }
0x2c: {  	s7 =	sld [smem:$0x3FAA]  }
0x2d: {  	s3 =	simm.s32 $0x108;
	s8 =	sld [smem:$0x3FAB]  }
0x2e: {  	s3 =	simm.s32 @!p0 $0x1082;
	s9 =	sld [smem:$0x3FAC]  }
0x2f: {  	lr =	sadd.s32 s0, s3;
	s0 =	sld [smem:$0x3FA3]  }
0x30: {  	s3 =	sld [smem:$0x3FA6]  }
0x31: {  	[smem:$0x3FAF] =	sst s10  }
0x32: {  	s10 =	sld [smem:$0x3FAD];
	_ =	sdelay $0x3  }
0x33: {  	p0 =	seq.s32 s10, $0x1;
	s10 =	sld [smem:$0x3FAF];
	_ =	sdelay $0x3  }
0x34: {  	[smem:$0x3FAF] =	sst s10  }
0x35: {  	s10 =	sld [smem:$0x3FAE];
	_ =	sdelay $0x3  }
0x36: {  	p1 =	seq.s32 s10, $0x1;
	s10 =	sld [smem:$0x3FAF];
	_ =	sdelay $0x3  }
0x37: {  	[smem:$0x3FAF] =	sst s10  }
0x38: {  	s10 =	sld [smem:$0x3FB0]  }
0x39: {  	_ = 	snop;
	(pc) =	sbr.ind lr, $3  }
0x3a: {  	_ = 	snop  }
0x3b: {  	_ = 	snop  }
0x3c: {  	p2 =	seq.s32 s10, $0x1;
	s10 =	sld [smem:$0x3FAF]  }
0x3d: {  	_ =	shalt  }
0x3e: {  	_ =	shalt  }
0x3f: {  	_ =	shalt  }
0x40: {  	_ =	shalt  }
0x41: {  	_ =	shalt  }
0x42: {  	_ =	shalt  }
0x43: {  	_ =	shalt  }
0x44: {  	_ =	shalt  }
0x45: {  	_ =	shalt  }
0x46: {  	_ =	shalt  }
0x47: {  	_ =	shalt  }
0x48: {  	_ =	shalt  }
0x49: {  	_ =	shalt  }
0x4a: {  	_ =	shalt  }
0x4b: {  	_ =	shalt  }
0x4c: {  	_ =	shalt  }
0x4d: {  	_ =	shalt  }
0x4e: {  	_ =	shalt  }
0x4f: {  	_ =	shalt  }
0x50: {  	_ =	shalt  }
0x51: {  	_ =	shalt  }
0x52: {  	_ =	shalt  }
0x53: {  	_ =	shalt  }
0x54: {  	_ =	shalt  }
0x55: {  	_ =	shalt  }
0x56: {  	_ =	shalt  }
0x57: {  	_ =	shalt  }
0x58: {  	_ =	shalt  }
0x59: {  	_ =	shalt  }
0x5a: {  	_ =	shalt  }
0x5b: {  	_ =	shalt  }
0x5c: {  	_ =	shalt  }
0x5d: {  	_ =	shalt  }
0x5e: {  	_ =	shalt  }
0x5f: {  	_ =	shalt  }
0x60: {  	_ =	shalt  }
0x61: {  	_ =	shalt  }
0x62: {  	_ =	shalt  }
0x63: {  	_ =	shalt  }
0x64: {  	_ =	shalt  }
0x65: {  	_ =	shalt  }
0x66: {  	_ =	shalt  }
0x67: {  	_ =	shalt  }
0x68: {  	_ =	shalt  }
0x69: {  	_ =	shalt  }
0x6a: {  	_ =	shalt  }
0x6b: {  	_ =	shalt  }
0x6c: {  	_ =	shalt  }
0x6d: {  	_ =	shalt  }
0x6e: {  	_ =	shalt  }
0x6f: {  	_ =	shalt  }
0x70: {  	_ =	shalt  }
0x71: {  	_ =	shalt  }
0x72: {  	_ =	shalt  }
0x73: {  	_ =	shalt  }
0x74: {  	_ =	shalt  }
0x75: {  	_ =	shalt  }
0x76: {  	_ =	shalt  }
0x77: {  	_ =	shalt  }
0x78: {  	_ =	shalt  }
0x79: {  	_ =	shalt  }
0x7a: {  	_ =	shalt  }
0x7b: {  	_ =	shalt  }
0x7c: {  	_ =	shalt  }
0x7d: {  	_ =	shalt  }
0x7e: {  	_ =	shalt  }
0x7f: {  	_ =	shalt  }
0x80: {  	_ =	shalt  }
0x81: {  	_ =	shalt  }
0x82: {  	_ =	shalt  }
0x83: {  	_ =	shalt  }
0x84: {  	_ =	shalt  }
0x85: {  	_ =	shalt  }
0x86: {  	_ =	shalt  }
0x87: {  	_ =	shalt  }
.Lfunc_end0:
.L_simem_size_0:
called_computation.1_lowered:
.L_overlay_start_0:
0x88: {  	s2 =	sld [smem:$0x3FD9]  }
0x89: {  	s3 =	sld [smem:$0x3FFE];
	_ =	sdelay $0x1  }
0x8a: {  	s1 =	srdreg.scid  }
0x8b: {  	s0 =	sand.u32 $0x1, s1  }
0x8c: {  	s17 =	sshll.u32 s0, $0xA;
	s2 =	sadd.s32 s3, s2  }
0x8d: {  	s2 =	sadd.s32 s2, s17  }
0x8e: {  	[smem:$0x3FBB] =	sst s2  }
0x8f: {  	_ = 	snop  }
0x90: {  	s2 =	sld [smem:$0x3FD0];
	(tm) =	ssettm $0x1  }
0x91: {  	s18 =	sld [smem:$0x3FFB];
	_ =	sdelay $0x3  }
0x92: {  	_ =	strace s18  }
0x93: {  	s3 =	sld [smem:$0x3FFC];
	_ =	sdelay $0x3  }
0x94: {  	_ =	strace s3  }
0x95: {  	s3 =	sld [smem:$0x3FFD];
	_ =	sdelay $0x3  }
0x96: {  	_ =	strace s3  }
0x97: {  	_ =	strace $0x8FFFFFFF  }
0x98: {  	s19 =	sld [smem:$0x3FDB];
	_ =	sdelay $0x1  }
0x99: {  	s4 =	simm.s32 $_scs_section_size  }
0x9a: {  	s5 =	simm.s32 $_size__tile_overlayer_lowered;
	s6 =	simm.s32 $_tile_overlayer_lowered  }
0x9b: {  	s22 =	simm.s32 $0x1BFF;
	s21 =	sshll.u32 s6, $0x1;
	s3 =	sadd.s32 s4, s19  }
0x9c: {  	s7 =	simm.s32 $0x0;
	s20 =	sshll.u32 s5, $0x1;
	s5 =	sadd.s32 s21, s3  }
0x9d: {  	[timem:s7], [sflag:s22] =	dma.local [hbm:s5], s20  }
0x9e: {  	_ =	swait.ge [sflag:s22], s20  }
0x9f: {  	s4 =	ssub.s32 $0x0, s20;
	[sflag:s22] =	ssyncset.done $0x0  }
0xa0: {  	[sflag:s22] =	ssyncadd.s32 s4;
	_ =	sdelay $0x1  }
0xa1: {  	s23 =	simm.s32 $0x1B8B  }
0xa2: {  	_ =	swait.ge [sflag:s23], $0x1  }
0xa3: {  	[sflag:s23] =	ssyncset.done $0x0  }
0xa4: {  	s25 =	simm.s32 $0x1B8E;
	s24 =	sld [smem:$0x3FFE];
	[sflag:s23] =	ssyncadd.s32 $0xFFFFFFFF  }
0xa5: {  	s26 =	simm.s32 $execute0_lowered;
	[smem:$0x3FD2] =	sst s25  }
0xa6: {  	s5 =	sshll.u32 s26, $0x1;
	_ =	strace $0x80000049;
	[dreg:$0x1] =	wrdreg $0xFFFFFFFF  }
0xa7: {  	s28 =	simm.s32 $_size_execute0_lowered;
	s3 =	sadd.s32 s3, s5;
	[dreg:$0x0] =	wrdreg $0x0  }
0xa8: {  	s5 =	sshll.u32 s28, $0x1;
	[dreg:$0x2] =	wrdreg s3  }
0xa9: {  	[dreg:$0x3] =	wrdreg s5  }
0xaa: {  	[dreg:$0x4] =	wrdreg $0xC0  }
0xab: {  	_ =	task [dreg:s7], $0x5FFFF  }
0xac: {  	[dreg:$0x1] =	wrdreg $0xFFFFFFFF  }
0xad: {  	[dreg:$0x0] =	wrdreg $0x60  }
0xae: {  	[dreg:$0x2] =	wrdreg s24  }
0xaf: {  	[dreg:$0x3] =	wrdreg s2  }
0xb0: {  	[dreg:$0x4] =	wrdreg $0xF8000  }
0xb1: {  	[dreg:$0x5] =	wrdreg $0x9  }
0xb2: {  	_ =	task.clear_ibuf [dreg:s7], $0x6FFFF;
	_ =	strace $0x90000049  }
0xb3: {  	s29 =	simm.s32 $0x9;
	_ =	strace $0x8000004B  }
0xb4: {  	_ =	swait.ge [sflag:s29], $0x1  }
0xb5: {  	[sflag:s29] =	ssyncadd.s32 $0xFFFFFFFF  }
0xb6: {  	_ =	strace $0x9000004B  }
0xb7: {  	_ =	sfence  }
0xb8: {  	s30 =	sld [smem:$0x0];
	_ =	sdelay $0x2  }
0xb9: {  	s31 =	sshll.u32 s1, $0xD;
	s1 =	sshrl.u32 s1, $0x2  }
0xba: {  	s3 =	sand.u32 $0x4000, s31;
	s1 =	sadd.s32 s1, s30  }
0xbb: {  	s0 =	sor.u32 s3, s0;
	s1 =	sshll.u32 s1, $0x11  }
0xbc: {  	s0 =	sor.u32 s1, s0  }
0xbd: {  	s0 =	sadd.s32 $0x8F2B, s0  }
0xbe: {  	[sflag:s0] =	ssyncadd.remote.s32 $0x1  }
0xbf: {  	_ =	sfence.sel $0xFFFF  }
0xc0: {  	[dreg:$0x0] =	wrdreg $0xFFFFFFFF;
	(pc) =	sbr.abs _section_cstart, $3  }
0xc1: {  	[dreg:$0x1] =	wrdreg $0xFFFFFFFF  }
0xc2: {  	_ =	task.clear_ibuf [dreg:s7], $0x2FFFF;
	_ =	strace $0x9FFFFFFF  }
0xc3: {  	(tm) =	ssettm $0x7FFFFFFF  }
tec
execute0_lowered:
.L_overlay_start_1:
0x0: {  	(tag) =	ssettag $0x1  }
0x1: {  	s6 =	rddreg [dreg:$0x0]  }
0x2: {  	s7 =	rddreg [dreg:$0x1];
	s1 =	srdreg.scid  }
0x3: {  	s0 =	stileid.u32;
	s2 =	rddreg [dreg:$0x2];
	s3 =	simm.s32 $0x0  }
0x4: {  	s16 =	simm.s32 $0xF000;
	s17 =	simm.s32 $0x80;
	s18 =	simm.s32 $0x3000  }
0x5: {  	s19 =	simm.s32 $0x7000;
	s20 =	simm.s32 $0x1;
	s21 =	simm.s32 $0xB000  }
0x6: {  	s22 =	simm.s32 $0x2;
	s23 =	simm.s32 $0x4;
	s28 =	simm.s32 $0x400  }
0x7: {  	s29 =	simm.s32 $0x0;
	s8 =	sand.u32 $0x1, s1;
	s4 =	sshll.u32 s0, $0x1  }
0x8: {  	[smem:$0x7FF] =	sst s3;
	s5 =	sadd.s32 $0x1EE00, s6;
	s12 =	sshll.u32 s0, $0xB  }
0x9: {  	s13 =	sshll.u32 s0, $0x9;
	s24 =	sshll.u32 s0, $0xE;
	s31 =	sshll.u32 s0, $0x6  }
0xa: {  	s9 =	sor.u32 s8, s4;
	_ =	strace $0x8000004A;
	s4 =	sadd.s32 $0x3400, s6  }
0xb: {  	s14 =	ssub.s32 $0x2, s8;
	s12 =	sadd.s32 s12, s6;
	s13 =	sand.u32 $0x1800, s13  }
0xc: {  	s25 =	sadd.s32 s24, s2;
	s26 =	sshll.u32 s8, $0xF;
	s24 =	simm.s32 $0x3  }
0xd: {  	s10 =	smul.u32 $0x300, s9;
	s15 =	sshrl.u32 s14, $0x1;
	s13 =	sadd.s32 s13, s6  }
0xe: {  	s9 =	sshll.u32 s9, $0x4;
	s8 =	sadd.s32 $0x16E00, s12;
	s14 =	ssub.s32 s14, s15  }
0xf: {  	s9 =	sand.u32 $0x70, s9;
	s15 =	sshrl.u32 s25, $0x3;
	s25 =	simm.s32 $0x5  }
0x10: {  	s11 =	sadd.s32 s10, s6;
	s6 =	sadd.s32 s7, s10;
	s10 =	sadd.s32 s26, s12  }
0x11: {  	s30 =	sadd.s32 s9, s13;
	s12 =	simm.s32 $0x7;
	s13 =	simm.s32 $0x1800  }
0x12: {  	s26 =	simm.s32 $0x6;
	s7 =	sadd.s32 $0x5A800, s11;
	s9 =	sadd.s32 $0x1F000, s10  }
0x13: {  	v0 =	vimm.f32 $1.000000000e+00;
	s10 =	sadd.s32 $0x2F000, s30;
	s11 =	smax.u32 s14, $0x1;
	s14 =	sor.u32 $0x1C07, s31  }
.LBB2_1:
0x14: {  	[tilespmem:s3], [sflag:$0x7] =	stream.linear.gather [hbm4b:s6+s3], $0x1500, $0x38;
	[tilespmem:$0x13800] =	vst v63  }
0x15: {  	_ =	swait.ge [sflag:s12], $0x1500  }
0x16: {  	[sflag:s12] =	ssyncset.done $0x0  }
0x17: {  	[sflag:s12] =	ssyncadd.s32 $0xFFFFEB00  }
0x18: {  	[tilespmem:s13], [sflag:$0x7] =	stream.linear.gather [hbm4b:s7+s3], $0x1500, $0x38;
	[tilespmem:$0x13800] =	vst v63  }
0x19: {  	_ =	swait.ge [sflag:s12], $0x1500  }
0x1a: {  	[sflag:s12] =	ssyncset.done $0x0  }
0x1b: {  	[sflag:s12] =	ssyncadd.s32 $0xFFFFEB00  }
0x1c: {  	[spmem:s15], [sflag:s14] =	dma.local [hbm:s8], $0x800  }
0x1d: {  	_ =	swait.ge [sflag:s12], $0x800  }
0x1e: {  	[sflag:s12] =	ssyncset.done $0x0  }
0x1f: {  	[sflag:s12] =	ssyncadd.s32 $0xFFFFF800  }
0x20: {  	[tilespmem:s16], [sflag:$0x7] =	stream.linear.gather [hbm4b:s5+s3], $0x800, $0x38;
	[tilespmem:$0x13800] =	vst v63  }
0x21: {  	_ =	swait.ge [sflag:s12], $0x800  }
0x22: {  	[sflag:s12] =	ssyncset.done $0x0  }
0x23: {  	[sflag:s12] =	ssyncadd.s32 $0xFFFFF800  }
0x24: {  	[bflag:$0x0] =	sbarrier.arrive $0xFFFF  }
0x25: {  	[tilespmem:s18], [sflag:$0x1] =	stream.indirect.gather [hbm4b:s4+s17], $0x80, s3, s17, $0xb8;
	[tilespmem:$0x13800] =	vst v63  }
0x26: {  	s30 =	simm.s32 $0x800  }
0x27: {  	[tilespmem:s19], [sflag:$0x2] =	stream.indirect.gather [hbm4b:s4+s17], $0x80, s17, s17, $0xb8;
	[tilespmem:$0x13800] =	vst v63  }
.LBB2_2:
0x28: {  	_ =	swait.ge [sflag:s20], $0x4000  }
0x29: {  	s31 =	sshra.s32 s30, $0x2;
	[sflag:s20] =	ssyncset.done $0x0  }
0x2a: {  	p0 =	seq.s32 s30, $0x800;
	s1 =	sadd.s32 $0x1600, s31;
	[sflag:s20] =	ssyncadd.s32 $0xFFFFC000  }
0x2b: {  	[spmem:s2] =	stream.indirect.scatter.add.f32 [tilespmem:s18], [sflag:$0x4], $0x80, s1, s17, $0xb8;
	[tilespmem:$0x13800] =	vst v63  }
0x2c: {  	s1 =	simm.s32 @!p0 $0x6  }
0x2d: {  	_ =	swait.ge @!p0 [sflag:s1], $0x4000  }
0x2e: {  	[sflag:s1] =	ssyncset.done @!p0 $0x0  }
0x2f: {  	[sflag:s1] =	ssyncadd.s32 @!p0 $0xFFFFC000;
	s1 =	sadd.s32 $0xFFFFFF00, s31  }
0x30: {  	[tilespmem:s21], [sflag:$0x3] =	stream.indirect.gather [hbm4b:s4+s17], $0x80, s1, s17, $0xb8;
	[tilespmem:$0x13800] =	vst v63  }
0x31: {  	v1 =	vld [tilespmem:s31+$0x1600];
	_ =	sdelay $0x7  }
0x32: {  	[tilespmem:v1+s16+$0x0] =	vst.idx.add.f32.msk $0xffff, v0  }
0x33: {  	v1 =	vld [tilespmem:s31+$0x1610];
	_ =	sdelay $0x7  }
0x34: {  	[tilespmem:v1+s16+$0x0] =	vst.idx.add.f32.msk $0xffff, v0  }
0x35: {  	v1 =	vld [tilespmem:s31+$0x1620];
	_ =	sdelay $0x7  }
0x36: {  	[tilespmem:v1+s16+$0x0] =	vst.idx.add.f32.msk $0xffff, v0  }
0x37: {  	v1 =	vld [tilespmem:s31+$0x1630];
	_ =	sdelay $0x7  }
0x38: {  	[tilespmem:v1+s16+$0x0] =	vst.idx.add.f32.msk $0xffff, v0  }
0x39: {  	v1 =	vld [tilespmem:s31+$0x1640];
	_ =	sdelay $0x7  }
0x3a: {  	[tilespmem:v1+s16+$0x0] =	vst.idx.add.f32.msk $0xffff, v0  }
0x3b: {  	v1 =	vld [tilespmem:s31+$0x1650];
	_ =	sdelay $0x7  }
0x3c: {  	[tilespmem:v1+s16+$0x0] =	vst.idx.add.f32.msk $0xffff, v0  }
0x3d: {  	v1 =	vld [tilespmem:s31+$0x1660];
	_ =	sdelay $0x7  }
0x3e: {  	[tilespmem:v1+s16+$0x0] =	vst.idx.add.f32.msk $0xffff, v0  }
0x3f: {  	v1 =	vld [tilespmem:s31+$0x1670];
	_ =	sdelay $0x7  }
0x40: {  	[tilespmem:v1+s16+$0x0] =	vst.idx.add.f32.msk $0xffff, v0  }
0x41: {  	_ =	swait.ge [sflag:s22], $0x4000  }
0x42: {  	[sflag:s22] =	ssyncset.done $0x0  }
0x43: {  	s1 =	sadd.s32 $0x1680, s31;
	[sflag:s22] =	ssyncadd.s32 $0xFFFFC000  }
0x44: {  	[spmem:s2] =	stream.indirect.scatter.add.f32 [tilespmem:s19], [sflag:$0x5], $0x80, s1, s17, $0xb8;
	[tilespmem:$0x13800] =	vst v63  }
0x45: {  	p0 =	seq.s32 s30, $0x5600;
	s1 =	sadd.s32 $0xFFFFFE00, s30;
	_ =	swait.ge [sflag:s23], $0x4000  }
0x46: {  	s1 =	simm.s32 @p0 $0x0;
	[sflag:s23] =	ssyncset.done $0x0  }
0x47: {  	s1 =	sshra.s32 s1, $0x2;
	[sflag:s23] =	ssyncadd.s32 $0xFFFFC000  }
0x48: {  	[tilespmem:s18], [sflag:$0x1] =	stream.indirect.gather [hbm4b:s4+s17], $0x80, s1, s17, $0xb8;
	[tilespmem:$0x13800] =	vst v63  }
0x49: {  	v1 =	vld [tilespmem:s31+$0x1680];
	_ =	sdelay $0x7  }
0x4a: {  	[tilespmem:v1+s16+$0x0] =	vst.idx.add.f32.msk $0xffff, v0  }
0x4b: {  	v1 =	vld [tilespmem:s31+$0x1690];
	_ =	sdelay $0x7  }
0x4c: {  	[tilespmem:v1+s16+$0x0] =	vst.idx.add.f32.msk $0xffff, v0  }
0x4d: {  	v1 =	vld [tilespmem:s31+$0x16A0];
	_ =	sdelay $0x7  }
0x4e: {  	[tilespmem:v1+s16+$0x0] =	vst.idx.add.f32.msk $0xffff, v0  }
0x4f: {  	v1 =	vld [tilespmem:s31+$0x16B0];
	_ =	sdelay $0x7  }
0x50: {  	[tilespmem:v1+s16+$0x0] =	vst.idx.add.f32.msk $0xffff, v0  }
0x51: {  	v1 =	vld [tilespmem:s31+$0x16C0];
	_ =	sdelay $0x7  }
0x52: {  	[tilespmem:v1+s16+$0x0] =	vst.idx.add.f32.msk $0xffff, v0  }
0x53: {  	v1 =	vld [tilespmem:s31+$0x16D0];
	_ =	sdelay $0x7  }
0x54: {  	[tilespmem:v1+s16+$0x0] =	vst.idx.add.f32.msk $0xffff, v0  }
0x55: {  	v1 =	vld [tilespmem:s31+$0x16E0];
	_ =	sdelay $0x7  }
0x56: {  	[tilespmem:v1+s16+$0x0] =	vst.idx.add.f32.msk $0xffff, v0  }
0x57: {  	v1 =	vld [tilespmem:s31+$0x16F0];
	_ =	sdelay $0x7  }
0x58: {  	[tilespmem:v1+s16+$0x0] =	vst.idx.add.f32.msk $0xffff, v0  }
0x59: {  	_ =	swait.ge [sflag:s24], $0x4000  }
0x5a: {  	[sflag:s24] =	ssyncset.done $0x0  }
0x5b: {  	s1 =	sadd.s32 $0x1700, s31;
	[sflag:s24] =	ssyncadd.s32 $0xFFFFC000  }
0x5c: {  	[spmem:s2] =	stream.indirect.scatter.add.f32 [tilespmem:s21], [sflag:$0x6], $0x80, s1, s17, $0xb8;
	[tilespmem:$0x13800] =	vst v63  }
0x5d: {  	s1 =	smov.u32 s30;
	_ =	swait.ge [sflag:s25], $0x4000  }
0x5e: {  	s1 =	simm.s32 @p0 $0x200;
	[sflag:s25] =	ssyncset.done $0x0  }
0x5f: {  	s1 =	sshra.s32 s1, $0x2;
	[sflag:s25] =	ssyncadd.s32 $0xFFFFC000  }
0x60: {  	[tilespmem:s19], [sflag:$0x2] =	stream.indirect.gather [hbm4b:s4+s17], $0x80, s1, s17, $0xb8;
	[tilespmem:$0x13800] =	vst v63  }
0x61: {  	v1 =	vld [tilespmem:s31+$0x1700];
	_ =	sdelay $0x7  }
0x62: {  	[tilespmem:v1+s16+$0x0] =	vst.idx.add.f32.msk $0xffff, v0  }
0x63: {  	v1 =	vld [tilespmem:s31+$0x1710];
	_ =	sdelay $0x7  }
0x64: {  	[tilespmem:v1+s16+$0x0] =	vst.idx.add.f32.msk $0xffff, v0  }
0x65: {  	v1 =	vld [tilespmem:s31+$0x1720];
	_ =	sdelay $0x7  }
0x66: {  	[tilespmem:v1+s16+$0x0] =	vst.idx.add.f32.msk $0xffff, v0  }
0x67: {  	v1 =	vld [tilespmem:s31+$0x1730];
	_ =	sdelay $0x7  }
0x68: {  	[tilespmem:v1+s16+$0x0] =	vst.idx.add.f32.msk $0xffff, v0  }
0x69: {  	v1 =	vld [tilespmem:s31+$0x1740];
	_ =	sdelay $0x7  }
0x6a: {  	[tilespmem:v1+s16+$0x0] =	vst.idx.add.f32.msk $0xffff, v0  }
0x6b: {  	v1 =	vld [tilespmem:s31+$0x1750];
	_ =	sdelay $0x7  }
0x6c: {  	[tilespmem:v1+s16+$0x0] =	vst.idx.add.f32.msk $0xffff, v0  }
0x6d: {  	v1 =	vld [tilespmem:s31+$0x1760];
	_ =	sdelay $0x7  }
0x6e: {  	[tilespmem:v1+s16+$0x0] =	vst.idx.add.f32.msk $0xffff, v0  }
0x6f: {  	v1 =	vld [tilespmem:s31+$0x1770];
	_ =	sdelay $0x1  }
0x70: {  	s30 =	sadd.s32 $0x600, s30  }
0x71: {  	p0 =	sne.s32 s30, $0x5C00  }
.Ltmp0:
0x72: {  	_ = 	snop;
	(pc) =	sbr.rel @p0 .LBB2_2-.Ltmp0, $2  }
0x73: {  	_ =	sdelay $0x2  }
0x74: {  	[tilespmem:v1+s16+$0x0] =	vst.idx.add.f32.msk $0xffff, v0  }
0x75: {  	_ =	swait.ge [sflag:s26], $0x4000  }
0x76: {  	[sflag:s26] =	ssyncset.done $0x0  }
0x77: {  	[sflag:s26] =	ssyncadd.s32 $0xFFFFC000  }
0x78: {  	_ =	swait.ge [sflag:s20], $0x4000  }
0x79: {  	[sflag:s20] =	ssyncset.done $0x0  }
0x7a: {  	[sflag:s20] =	ssyncadd.s32 $0xFFFFC000  }
0x7b: {  	_ =	swait.ge [sflag:s22], $0x4000  }
0x7c: {  	[sflag:s22] =	ssyncset.done $0x0  }
0x7d: {  	[sflag:s22] =	ssyncadd.s32 $0xFFFFC000  }
0x7e: {  	[bflag:$0x0] =	sbarrier.arrive $0xFFFF  }
0x7f: {  	[hbm:s9], [sflag:s14] =	dma.local [spmem:s15], $0x800  }
0x80: {  	s29 =	sadd.s32 $0x1, s29;
	_ =	swait.ge [sflag:s12], $0x800  }
0x81: {  	p0 =	sne.s32 s29, s11;
	[sflag:s12] =	ssyncset.done $0x0  }
.Ltmp1:
0x82: {  	[sflag:s12] =	ssyncadd.s32 $0xFFFFF800;
	(pc) =	sbr.rel @p0 .LBB2_1-.Ltmp1, $4  }
0x83: {  	[hbm4b:s10+s17] =	stream.strided.scatter [tilespmem:s16], [sflag:$0x7], $0x800, s28, s17, $0x38;
	[tilespmem:$0x13800] =	vst v63  }
0x84: {  	_ =	swait.ge [sflag:s12], $0x800  }
0x85: {  	[sflag:s12] =	ssyncset.done $0x0  }
0x86: {  	[sflag:s12] =	ssyncadd.s32 $0xFFFFF800  }
0x87: {  	_ =	sfence.sel $0x180000  }
0x88: {  	[bflag:$0x0] =	sbarrier.arrive $0xFFFF  }
0x89: {  	_ =	strace $0x9000004A  }
0x8a: {  	[bflag:$0x2] =	sbarrier.arrive $0xFFFF  }
0x8b: {  	p0 =	sne.s32 s0, $0x0;
	s0 =	rddreg [dreg:$0x3]  }
0x8c: {  	s0 =	sadd.s32 @!p0 $0x100000, s0  }
0x8d: {  	[sflag:s0] =	ssyncadd.tile.s32 @!p0 $0x1;
	_ =	shalt  }
.Lfunc_end2:
_tile_overlayer_lowered:
.L_overlay_start_2:
0x8e: {  	(tag) =	ssettag $0x2  }
0x8f: {  	s0 =	rddreg [dreg:$0x0];
	s2 =	stileid.u32  }
0x90: {  	s1 =	rddreg [dreg:$0x1];
	p0 =	sne.s32 s2, $0x0  }
0x91: {  	s3 =	rddreg [dreg:$0x2];
	[bflag:$0x3] =	sbarrier.arrive $0xFFFF;
	s2 =	simm.s32 @!p0 $0x1C07  }
0x92: {  	[timem:s3], [sflag:s2] =	dma.local @!p0 [hbm:s0], s1  }
0x93: {  	s0 =	simm.s32 @!p0 $0x7  }
0x94: {  	_ =	swait.ge @!p0 [sflag:s0], s1  }
0x95: {  	s1 =	ssub.s32 @!p0 $0x0, s1;
	[sflag:s0] =	ssyncset.done @!p0 $0x0  }
0x96: {  	[sflag:s0] =	ssyncadd.s32 @!p0 s1  }
0x97: {  	[bflag:$0x3] =	sbarrier.arrive $0xFFFF  }
0x98: {  	_ =	shalt  }

</sc_bundles>
